<compile_context>
chip_gen: v7x
topology: tpu7x:2x2x1
jax: 0.10.2.dev20260603
libtpu: 0.0.44.dev20260713+nightly
codegen_flags: <defaults>
</compile_context>

<pallas_src>
import functools

import jax
import jax.numpy as jnp
from jax import lax
from jax.experimental import pallas as pl
from jax.experimental.pallas import tpu as pltpu
from jax.experimental.pallas import tpu_sc as plsc

N = 16 * 576
D = 256
K = 1024

BLK_A = 3072
GRID_A = N // BLK_A

NC, NS = 2, 16
NW = NC * NS
PER_W = N // NW
CHUNK = 96
N_CHUNKS = PER_W // CHUNK
PER_H = N // NS
N_RED = 8
COLS_W = K // N_RED


def _dist_argmax_body(x_ref, e_ref, idx_ref, co_ref, en_ref, e2_ref):
    i = pl.program_id(0)
    xb = x_ref[...]

    @pl.when(i == 0)
    def _():
        eb = e_ref[...]
        en_ref[...] = jnp.sum(eb * eb, axis=1).reshape(K, 1)
        e2_ref[...] = eb + eb
        co_ref[0, 0] = 0.0

    st = lax.dot_general(e2_ref[...], xb, (((1,), (1,)), ((), ())),
                         preferred_element_type=jnp.float32)
    st = st - en_ref[...]
    m = jnp.max(st, axis=0)
    iota = lax.broadcasted_iota(jnp.int32, st.shape, 0)
    idxv = jnp.min(jnp.where(st == m[None, :], iota, K), axis=0)
    idx_ref[...] = idxv
    co_ref[0, 0] += jnp.sum(xb * xb) - jnp.sum(m)

    @pl.when(i == GRID_A - 1)
    def _():
        co_ref[0, 0] *= 1.0 / (N * D)


def _tc_dist_argmax(flatten, embed):
    return pl.pallas_call(
        _dist_argmax_body,
        grid=(GRID_A,),
        in_specs=[
            pl.BlockSpec((BLK_A, D), lambda i: (i, 0)),
            pl.BlockSpec((K, D), lambda i: (0, 0)),
        ],
        out_specs=[
            pl.BlockSpec((BLK_A,), lambda i: (i,)),
            pl.BlockSpec(memory_space=pltpu.SMEM),
        ],
        out_shape=[
            jax.ShapeDtypeStruct((N,), jnp.int32),
            jax.ShapeDtypeStruct((1, 1), jnp.float32),
        ],
        scratch_shapes=[
            pltpu.VMEM((K, 1), jnp.float32),
            pltpu.VMEM((K, D), jnp.float32),
        ],
    )(flatten, embed)


def _sc_gather_hist(idx_flat, mask_flat, embed):
    mesh = plsc.VectorSubcoreMesh(core_axis_name="c", subcore_axis_name="s")

    @functools.partial(
        pl.kernel,
        mesh=mesh,
        compiler_params=pltpu.CompilerParams(needs_layout_passes=False),
        out_type=[
            jax.ShapeDtypeStruct((N, D), jnp.float32),
            jax.ShapeDtypeStruct((K,), jnp.float32),
        ],
        scratch_types=[
            pltpu.VMEM((PER_W,), jnp.int32),
            pltpu.VMEM((PER_H,), jnp.int32),
            pltpu.VMEM((PER_H,), jnp.float32),
            pltpu.VMEM((PER_W, D), jnp.float32),
            pltpu.VMEM((K,), jnp.float32),
            pltpu.VMEM((NS, COLS_W), jnp.float32),
            pltpu.VMEM((COLS_W,), jnp.float32),
            pltpu.VMEM_SHARED((NS, K), jnp.float32),
            pltpu.SemaphoreType.DMA,
            pltpu.SemaphoreType.DMA,
        ],
    )
    def body(idx_hbm, mask_hbm, embed_hbm, quant_out, cs_out,
             idx_v, hidx_v, hmask_v, rows_v, hist_v, stripe_v, red_v, shared,
             gsem, wsem):
        cid = lax.axis_index("c")
        sid = lax.axis_index("s")
        wid = sid * NC + cid
        base = wid * PER_W
        pltpu.sync_copy(idx_hbm.at[pl.ds(base, PER_W)], idx_v)

        gathers = [
            pltpu.async_copy(
                embed_hbm.at[idx_v.at[pl.ds(c * CHUNK, CHUNK)]],
                rows_v.at[pl.ds(c * CHUNK, CHUNK)],
                gsem,
            )
            for c in range(N_CHUNKS)
        ]

        @pl.when(cid == 0)
        def _():
            hbase = sid * PER_H
            pltpu.sync_copy(idx_hbm.at[pl.ds(hbase, PER_H)], hidx_v)
            pltpu.sync_copy(mask_hbm.at[pl.ds(hbase, PER_H)], hmask_v)

            def zero_body(i, carry):
                hist_v[pl.ds(i * 16, 16)] = jnp.zeros((16,), jnp.float32)
                return carry

            lax.fori_loop(0, K // 16, zero_body, 0)

            def hist_body(g, carry):
                iv = hidx_v[pl.ds(g * 16, 16)]
                mv = hmask_v[pl.ds(g * 16, 16)]
                plsc.addupdate_scatter(hist_v, [iv], mv)
                return carry

            lax.fori_loop(0, PER_H // 16, hist_body, 0)
            pltpu.sync_copy(hist_v, shared.at[sid])

        plsc.subcore_barrier()

        @pl.when(jnp.logical_and(cid == 0, sid < N_RED))
        def _():
            col0 = pl.multiple_of(sid * COLS_W, COLS_W)
            pltpu.sync_copy(shared.at[:, pl.ds(col0, COLS_W)], stripe_v)
            for c4 in range(COLS_W // 16):
                acc = jnp.zeros((16,), jnp.float32)
                for r in range(NS):
                    acc = acc + stripe_v[r, pl.ds(c4 * 16, 16)]
                red_v[pl.ds(c4 * 16, 16)] = acc
            pltpu.sync_copy(red_v, cs_out.at[pl.ds(col0, COLS_W)])

        for g in gathers:
            g.wait()
        writes = [
            pltpu.async_copy(
                rows_v.at[pl.ds(c * CHUNK, CHUNK)],
                quant_out.at[pl.ds(base + c * CHUNK, CHUNK)],
                wsem,
            )
            for c in range(N_CHUNKS)
        ]
        for w in writes:
            w.wait()

    return body(idx_flat, mask_flat, embed)


def kernel(x, node_mask, embed):
    b, t, d = x.shape
    flatten = x.reshape(N, D)
    maskf = node_mask.reshape(N)

    idx_flat, co = _tc_dist_argmax(flatten, embed)
    outq, cs = _sc_gather_hist(idx_flat, maskf, embed)

    out = outq.reshape(b, t, d)
    embed_ind = idx_flat.reshape(b, t)
    return out, embed_ind, co.reshape(()), cs

# --- scband reference (transcript-rebuilt; emitter-appended) ---
"""Pipeline reference for scband-vector-quantize-27685359190171 (READ-ONLY COPY).

The authoritative reference and input builder live on the scoring server;
editing this copy changes nothing except your own understanding.
"""

import jax, jax.numpy as jnp
import numpy as np

CODEBOOK_SIZE = 1024
DIM = 256
B, T = 16, 576


def setup_inputs(seed: int = 0) -> dict:
    key = jax.random.key(seed)
    k1, k2 = jax.random.split(key)
    x = jax.random.normal(k1, (B, T, DIM), dtype=jnp.float32)
    node_mask = jnp.ones((B, T), dtype=jnp.float32)
    # learned codebook parameter (learnable_codebook=True)
    embed = jax.random.normal(k2, (CODEBOOK_SIZE, DIM), dtype=jnp.float32)
    return {"x": x, "node_mask": node_mask, "embed": embed}


def reference(x, node_mask, embed):
    # Euclidean (use_hyperbolic=False) eval-mode path of Codebook/VectorQuantize
    shape = x.shape
    flatten = x.reshape(-1, shape[-1])  # (B*T, d)
    embed_t = embed.T  # (d, K)
    # dist = -(||x||^2 - 2 x.E^T + ||e||^2)
    dist = -(jnp.sum(flatten ** 2, axis=1, keepdims=True)
             - 2.0 * (flatten @ embed_t)
             + jnp.sum(embed_t ** 2, axis=0, keepdims=True))  # (B*T, K)
    # eval mode: temperature None -> argmax
    embed_ind_flat = jnp.argmax(dist, axis=-1)  # (B*T,)
    # one-hot masked by node_mask (used for cluster stats in the torch module)
    onehot = jax.nn.one_hot(embed_ind_flat, CODEBOOK_SIZE, dtype=x.dtype)
    onehot = onehot * node_mask.reshape(-1)[:, None]
    cluster_size = onehot.sum(axis=0)  # (K,)
    embed_ind = embed_ind_flat.reshape(shape[:-1])  # (B, T)
    # embedding gather (F.embedding)
    quantize = jnp.take(embed, embed_ind_flat, axis=0).reshape(shape)
    # commitment loss
    commit_loss = jnp.mean((jax.lax.stop_gradient(quantize) - x) ** 2)
    # straight-through estimator
    quantize_st = x + jax.lax.stop_gradient(quantize - x)
    out = quantize_st * node_mask[..., None]
    return out, embed_ind, commit_loss, cluster_size

if __name__ == "__main__":
    import jax
    _d = setup_inputs()
    print(jax.jit(kernel)(*tuple(_d.values())))

</pallas_src>

<mosaic_0001>
#map = affine_map<(d0, d1) -> (0)>
#map1 = affine_map<(d0, d1) -> (0, 0)>
module attributes {stable_mosaic.version = 14 : i64} {
  func.func @body(%arg0: i32, %arg1: i32, %arg2: memref<9216xi32, #tpu.memory_space<hbm>>, %arg3: memref<9216xf32, #tpu.memory_space<hbm>>, %arg4: memref<1024x256xf32, #tpu.memory_space<hbm>>, %arg5: memref<9216x256xf32, #tpu.memory_space<hbm>>, %arg6: memref<1024xf32, #tpu.memory_space<hbm>>, %arg7: memref<288xi32, #tpu.memory_space<vmem>>, %arg8: memref<576xi32, #tpu.memory_space<vmem>>, %arg9: memref<576xf32, #tpu.memory_space<vmem>>, %arg10: memref<288x256xf32, #tpu.memory_space<vmem>>, %arg11: memref<1024xf32, #tpu.memory_space<vmem>>, %arg12: memref<16x128xf32, #tpu.memory_space<vmem>>, %arg13: memref<128xf32, #tpu.memory_space<vmem>>, %arg14: memref<16x1024xf32, #tpu.memory_space<vmem_shared>>, %arg15: memref<!tpu.dma_semaphore, #tpu.memory_space<semaphore_mem>>, %arg16: memref<!tpu.dma_semaphore, #tpu.memory_space<semaphore_mem>>) attributes {dimension_semantics = [#tpu.dimension_semantics<core_parallel>, #tpu.dimension_semantics<subcore_parallel>], iteration_bounds = array<i64: 2, 16>, scalar_prefetch = 0 : i64, scratch_operands = 10 : i64, tpu.core_type = #tpu.core_type<sc_vector_subcore>, window_params = [{transform_indices = #map}, {transform_indices = #map}, {transform_indices = #map1}, {transform_indices = #map1}, {transform_indices = #map}]} {
    %mul3A = arith.constant 2 : i32
    %mul3A_0 = arith.muli %arg1, %mul3A : i32
    %add3A = arith.addi %mul3A_0, %arg0 : i32
    %mul3A_1 = arith.constant 288 : i32
    %mul3A_2 = arith.muli %add3A, %mul3A_1 : i32
    "tpu.region"() ({
      %run_scoped3A = tpu.sem_alloc : memref<!tpu.dma_semaphore, #tpu.memory_space<semaphore_mem>>
      %dma_start3A_123 = tpu.memref_slice %arg2[%mul3A_2] : memref<9216xi32, #tpu.memory_space<hbm>> -> memref<288xi32, #tpu.memory_space<hbm>>
      %dma_start3A_124 = tpu.memref_slice %arg2[%mul3A_2] : memref<9216xi32, #tpu.memory_space<hbm>> -> memref<288xi32, #tpu.memory_space<hbm>>
      tpu.enqueue_dma source(%dma_start3A_124 : memref<288xi32, #tpu.memory_space<hbm>>) target(%arg7 : memref<288xi32, #tpu.memory_space<vmem>>) target_semaphore(%run_scoped3A : memref<!tpu.dma_semaphore, #tpu.memory_space<semaphore_mem>>)
      %dma_wait3A_125 = tpu.memref_slice %arg2[%mul3A_2] : memref<9216xi32, #tpu.memory_space<hbm>> -> memref<288xi32, #tpu.memory_space<hbm>>
      %dma_wait3A_126 = tpu.memref_slice %arg2[%mul3A_2] : memref<9216xi32, #tpu.memory_space<hbm>> -> memref<288xi32, #tpu.memory_space<hbm>>
      tpu.wait_dma2 semaphore(%run_scoped3A : memref<!tpu.dma_semaphore, #tpu.memory_space<semaphore_mem>>) src(%dma_wait3A_126 : memref<288xi32, #tpu.memory_space<hbm>>) dst(%arg7 : memref<288xi32, #tpu.memory_space<vmem>>)
      tpu.yield
    }) : () -> ()
    %dma_start3A = arith.constant 0 : i32
    %dma_start3A_3 = arith.constant 0 : i32
    %dma_start3A_4 = tpu.memref_slice %arg10[%dma_start3A, %dma_start3A_3] : memref<288x256xf32, #tpu.memory_space<vmem>> -> memref<96x256xf32, #tpu.memory_space<vmem>>
    %dma_start3A_5 = arith.constant 0 : i32
    %dma_start3A_6 = tpu.memref_slice %arg7[%dma_start3A_5] : memref<288xi32, #tpu.memory_space<vmem>> -> memref<96xi32, #tpu.memory_space<vmem>>
    %dma_start3A_7 = arith.constant 0 : i32
    %dma_start3A_8 = arith.constant 0 : i32
    %dma_start3A_9 = tpu.memref_slice %arg4[%dma_start3A_7, %dma_start3A_8] : memref<1024x256xf32, #tpu.memory_space<hbm>> -> memref<1024x256xf32, #tpu.memory_space<hbm>>
    tpu.enqueue_indirect_dma source(%dma_start3A_9 : memref<1024x256xf32, #tpu.memory_space<hbm>>) target(%dma_start3A_4 : memref<96x256xf32, #tpu.memory_space<vmem>>) offsets(%dma_start3A_6 : memref<96xi32, #tpu.memory_space<vmem>>) semaphore(%arg15 : memref<!tpu.dma_semaphore, #tpu.memory_space<semaphore_mem>>)
    %dma_start3A_10 = arith.constant 96 : i32
    %dma_start3A_11 = arith.constant 0 : i32
    %dma_start3A_12 = tpu.memref_slice %arg10[%dma_start3A_10, %dma_start3A_11] : memref<288x256xf32, #tpu.memory_space<vmem>> -> memref<96x256xf32, #tpu.memory_space<vmem>>
    %dma_start3A_13 = arith.constant 96 : i32
    %dma_start3A_14 = tpu.memref_slice %arg7[%dma_start3A_13] : memref<288xi32, #tpu.memory_space<vmem>> -> memref<96xi32, #tpu.memory_space<vmem>>
    %dma_start3A_15 = arith.constant 0 : i32
    %dma_start3A_16 = arith.constant 0 : i32
    %dma_start3A_17 = tpu.memref_slice %arg4[%dma_start3A_15, %dma_start3A_16] : memref<1024x256xf32, #tpu.memory_space<hbm>> -> memref<1024x256xf32, #tpu.memory_space<hbm>>
    tpu.enqueue_indirect_dma source(%dma_start3A_17 : memref<1024x256xf32, #tpu.memory_space<hbm>>) target(%dma_start3A_12 : memref<96x256xf32, #tpu.memory_space<vmem>>) offsets(%dma_start3A_14 : memref<96xi32, #tpu.memory_space<vmem>>) semaphore(%arg15 : memref<!tpu.dma_semaphore, #tpu.memory_space<semaphore_mem>>)
    %dma_start3A_18 = arith.constant 192 : i32
    %dma_start3A_19 = arith.constant 0 : i32
    %dma_start3A_20 = tpu.memref_slice %arg10[%dma_start3A_18, %dma_start3A_19] : memref<288x256xf32, #tpu.memory_space<vmem>> -> memref<96x256xf32, #tpu.memory_space<vmem>>
    %dma_start3A_21 = arith.constant 192 : i32
    %dma_start3A_22 = tpu.memref_slice %arg7[%dma_start3A_21] : memref<288xi32, #tpu.memory_space<vmem>> -> memref<96xi32, #tpu.memory_space<vmem>>
    %dma_start3A_23 = arith.constant 0 : i32
    %dma_start3A_24 = arith.constant 0 : i32
    %dma_start3A_25 = tpu.memref_slice %arg4[%dma_start3A_23, %dma_start3A_24] : memref<1024x256xf32, #tpu.memory_space<hbm>> -> memref<1024x256xf32, #tpu.memory_space<hbm>>
    tpu.enqueue_indirect_dma source(%dma_start3A_25 : memref<1024x256xf32, #tpu.memory_space<hbm>>) target(%dma_start3A_20 : memref<96x256xf32, #tpu.memory_space<vmem>>) offsets(%dma_start3A_22 : memref<96xi32, #tpu.memory_space<vmem>>) semaphore(%arg15 : memref<!tpu.dma_semaphore, #tpu.memory_space<semaphore_mem>>)
    %eq3A = arith.constant 0 : i32
    %eq3A_26 = arith.cmpi eq, %arg0, %eq3A : i32
    %convert_element_type3A = arith.extui %eq3A_26 : i1 to i32
    %cond3A = arith.constant 0 : i32
    %cond3A_27 = arith.cmpi ne, %convert_element_type3A, %cond3A : i32
    scf.if %cond3A_27 {
      %mul3A_123 = arith.constant 576 : i32
      %mul3A_124 = arith.muli %arg1, %mul3A_123 : i32
      "tpu.region"() ({
        %run_scoped3A = tpu.sem_alloc : memref<!tpu.dma_semaphore, #tpu.memory_space<semaphore_mem>>
        %dma_start3A_136 = tpu.memref_slice %arg2[%mul3A_124] : memref<9216xi32, #tpu.memory_space<hbm>> -> memref<576xi32, #tpu.memory_space<hbm>>
        %dma_start3A_137 = tpu.memref_slice %arg2[%mul3A_124] : memref<9216xi32, #tpu.memory_space<hbm>> -> memref<576xi32, #tpu.memory_space<hbm>>
        tpu.enqueue_dma source(%dma_start3A_137 : memref<576xi32, #tpu.memory_space<hbm>>) target(%arg8 : memref<576xi32, #tpu.memory_space<vmem>>) target_semaphore(%run_scoped3A : memref<!tpu.dma_semaphore, #tpu.memory_space<semaphore_mem>>)
        %dma_wait3A_138 = tpu.memref_slice %arg2[%mul3A_124] : memref<9216xi32, #tpu.memory_space<hbm>> -> memref<576xi32, #tpu.memory_space<hbm>>
        %dma_wait3A_139 = tpu.memref_slice %arg2[%mul3A_124] : memref<9216xi32, #tpu.memory_space<hbm>> -> memref<576xi32, #tpu.memory_space<hbm>>
        tpu.wait_dma2 semaphore(%run_scoped3A : memref<!tpu.dma_semaphore, #tpu.memory_space<semaphore_mem>>) src(%dma_wait3A_139 : memref<576xi32, #tpu.memory_space<hbm>>) dst(%arg8 : memref<576xi32, #tpu.memory_space<vmem>>)
        tpu.yield
      }) : () -> ()
      "tpu.region"() ({
        %run_scoped3A = tpu.sem_alloc : memref<!tpu.dma_semaphore, #tpu.memory_space<semaphore_mem>>
        %dma_start3A_136 = tpu.memref_slice %arg3[%mul3A_124] : memref<9216xf32, #tpu.memory_space<hbm>> -> memref<576xf32, #tpu.memory_space<hbm>>
        %dma_start3A_137 = tpu.memref_slice %arg3[%mul3A_124] : memref<9216xf32, #tpu.memory_space<hbm>> -> memref<576xf32, #tpu.memory_space<hbm>>
        tpu.enqueue_dma source(%dma_start3A_137 : memref<576xf32, #tpu.memory_space<hbm>>) target(%arg9 : memref<576xf32, #tpu.memory_space<vmem>>) target_semaphore(%run_scoped3A : memref<!tpu.dma_semaphore, #tpu.memory_space<semaphore_mem>>)
        %dma_wait3A_138 = tpu.memref_slice %arg3[%mul3A_124] : memref<9216xf32, #tpu.memory_space<hbm>> -> memref<576xf32, #tpu.memory_space<hbm>>
        %dma_wait3A_139 = tpu.memref_slice %arg3[%mul3A_124] : memref<9216xf32, #tpu.memory_space<hbm>> -> memref<576xf32, #tpu.memory_space<hbm>>
        tpu.wait_dma2 semaphore(%run_scoped3A : memref<!tpu.dma_semaphore, #tpu.memory_space<semaphore_mem>>) src(%dma_wait3A_139 : memref<576xf32, #tpu.memory_space<hbm>>) dst(%arg9 : memref<576xf32, #tpu.memory_space<vmem>>)
        tpu.yield
      }) : () -> ()
      %scan3A = arith.constant 0 : i32
      %scan3A_125 = arith.constant 0 : i32
      %scan3A_126 = arith.constant 64 : i32
      %scan3A_127 = arith.addi %scan3A_125, %scan3A_126 : i32
      %scan3A_128 = arith.constant 1 : i32
      scf.for %scan3A_136 = %scan3A_125 to %scan3A_127 step %scan3A_128  : i32 {
        %broadcast_in_dim3A = arith.constant 0.000000e+00 : f32
        %broadcast_in_dim3A_137 = vector.broadcast %broadcast_in_dim3A : f32 to vector<16xf32>
        %mul3A_138 = arith.constant 16 : i32
        %mul3A_139 = arith.muli %scan3A_136, %mul3A_138 : i32
        %swap3A = arith.index_cast %mul3A_139 : i32 to index
        %swap3A_140 = tpu.vector_load %arg11[%swap3A] {strides = array<i32>} : memref<1024xf32, #tpu.memory_space<vmem>>, vector<16xf32>,
        tpu.vector_store %arg11[%swap3A], %broadcast_in_dim3A_137 {strides = array<i32>} : memref<1024xf32, #tpu.memory_space<vmem>>, vector<16xf32>,
      }
      %scan3A_129 = arith.constant 64 : i32
      %scan3A_130 = arith.constant 0 : i32
      %scan3A_131 = arith.constant 0 : i32
      %scan3A_132 = arith.constant 36 : i32
      %scan3A_133 = arith.addi %scan3A_131, %scan3A_132 : i32
      %scan3A_134 = arith.constant 1 : i32
      scf.for %scan3A_136 = %scan3A_131 to %scan3A_133 step %scan3A_134  : i32 {
        %mul3A_137 = arith.constant 16 : i32
        %mul3A_138 = arith.muli %scan3A_136, %mul3A_137 : i32
        %get3A = arith.index_cast %mul3A_138 : i32 to index
        %get3A_139 = tpu.vector_load %arg8[%get3A] {strides = array<i32>} : memref<576xi32, #tpu.memory_space<vmem>>, vector<16xi32>,
        %mul3A_140 = arith.constant 16 : i32
        %mul3A_141 = arith.muli %scan3A_136, %mul3A_140 : i32
        %get3A_142 = arith.index_cast %mul3A_141 : i32 to index
        %get3A_143 = tpu.vector_load %arg9[%get3A_142] {strides = array<i32>} : memref<576xf32, #tpu.memory_space<vmem>>, vector<16xf32>,
        tpu.vector_store_idx %arg11[%get3A_139], %get3A_143 {add = true} : memref<1024xf32, #tpu.memory_space<vmem>>[vector<16xi32>], vector<16xf32>,
      }
      %scan3A_135 = arith.constant 36 : i32
      "tpu.region"() ({
        %run_scoped3A = tpu.sem_alloc : memref<!tpu.dma_semaphore, #tpu.memory_space<semaphore_mem>>
        %dma_start3A_136 = arith.constant 0 : i32
        %dma_start3A_137 = tpu.memref_slice %arg14[%arg1, %dma_start3A_136] : memref<16x1024xf32, #tpu.memory_space<vmem_shared>> -> memref<1x1024xf32, #tpu.memory_space<vmem_shared>>
        %dma_start3A_138 = tpu.memref_squeeze %dma_start3A_137 : memref<1x1024xf32, #tpu.memory_space<vmem_shared>> -> memref<1024xf32, #tpu.memory_space<vmem_shared>>
        %dma_start3A_139 = arith.constant 0 : i32
        %dma_start3A_140 = tpu.memref_slice %arg14[%arg1, %dma_start3A_139] : memref<16x1024xf32, #tpu.memory_space<vmem_shared>> -> memref<1x1024xf32, #tpu.memory_space<vmem_shared>>
        %dma_start3A_141 = tpu.memref_squeeze %dma_start3A_140 : memref<1x1024xf32, #tpu.memory_space<vmem_shared>> -> memref<1024xf32, #tpu.memory_space<vmem_shared>>
        tpu.enqueue_dma source(%arg11 : memref<1024xf32, #tpu.memory_space<vmem>>) target(%dma_start3A_141 : memref<1024xf32, #tpu.memory_space<vmem_shared>>) target_semaphore(%run_scoped3A : memref<!tpu.dma_semaphore, #tpu.memory_space<semaphore_mem>>)
        %dma_wait3A_142 = arith.constant 0 : i32
        %dma_wait3A_143 = tpu.memref_slice %arg14[%arg1, %dma_wait3A_142] : memref<16x1024xf32, #tpu.memory_space<vmem_shared>> -> memref<1x1024xf32, #tpu.memory_space<vmem_shared>>
        %dma_wait3A_144 = tpu.memref_squeeze %dma_wait3A_143 : memref<1x1024xf32, #tpu.memory_space<vmem_shared>> -> memref<1024xf32, #tpu.memory_space<vmem_shared>>
        %dma_wait3A_145 = arith.constant 0 : i32
        %dma_wait3A_146 = tpu.memref_slice %arg14[%arg1, %dma_wait3A_145] : memref<16x1024xf32, #tpu.memory_space<vmem_shared>> -> memref<1x1024xf32, #tpu.memory_space<vmem_shared>>
        %dma_wait3A_147 = tpu.memref_squeeze %dma_wait3A_146 : memref<1x1024xf32, #tpu.memory_space<vmem_shared>> -> memref<1024xf32, #tpu.memory_space<vmem_shared>>
        tpu.wait_dma2 semaphore(%run_scoped3A : memref<!tpu.dma_semaphore, #tpu.memory_space<semaphore_mem>>) src(%arg11 : memref<1024xf32, #tpu.memory_space<vmem>>) dst(%dma_wait3A_147 : memref<1024xf32, #tpu.memory_space<vmem_shared>>)
        tpu.yield
      }) : () -> ()
    } else {
    }
    %barrier3A = arith.constant 0 : index
    tpu.barrier barrier_id(%barrier3A)
    %eq3A_28 = arith.constant 0 : i32
    %eq3A_29 = arith.cmpi eq, %arg0, %eq3A_28 : i32
    %lt3A = arith.constant 8 : i32
    %lt3A_30 = arith.cmpi slt, %arg1, %lt3A : i32
    %and3A = arith.andi %eq3A_29, %lt3A_30 : i1
    %convert_element_type3A_31 = arith.extui %and3A : i1 to i32
    %cond3A_32 = arith.constant 0 : i32
    %cond3A_33 = arith.cmpi ne, %convert_element_type3A_31, %cond3A_32 : i32
    scf.if %cond3A_33 {
      %mul3A_123 = arith.constant 128 : i32
      %mul3A_124 = arith.muli %arg1, %mul3A_123 : i32
      %multiple_of3A = tpu.assume_multiple %mul3A_124, 128 : i32
      "tpu.region"() ({
        %run_scoped3A = tpu.sem_alloc : memref<!tpu.dma_semaphore, #tpu.memory_space<semaphore_mem>>
        %dma_start3A_794 = arith.constant 0 : i32
        %dma_start3A_795 = tpu.memref_slice %arg14[%dma_start3A_794, %multiple_of3A] : memref<16x1024xf32, #tpu.memory_space<vmem_shared>> -> memref<16x128xf32, #tpu.memory_space<vmem_shared>>
        %dma_start3A_796 = arith.constant 0 : i32
        %dma_start3A_797 = tpu.memref_slice %arg14[%dma_start3A_796, %multiple_of3A] : memref<16x1024xf32, #tpu.memory_space<vmem_shared>> -> memref<16x128xf32, #tpu.memory_space<vmem_shared>>
        tpu.enqueue_dma source(%dma_start3A_797 : memref<16x128xf32, #tpu.memory_space<vmem_shared>>) target(%arg12 : memref<16x128xf32, #tpu.memory_space<vmem>>) target_semaphore(%run_scoped3A : memref<!tpu.dma_semaphore, #tpu.memory_space<semaphore_mem>>)
        %dma_wait3A_798 = arith.constant 0 : i32
        %dma_wait3A_799 = tpu.memref_slice %arg14[%dma_wait3A_798, %multiple_of3A] : memref<16x1024xf32, #tpu.memory_space<vmem_shared>> -> memref<16x128xf32, #tpu.memory_space<vmem_shared>>
        %dma_wait3A_800 = arith.constant 0 : i32
        %dma_wait3A_801 = tpu.memref_slice %arg14[%dma_wait3A_800, %multiple_of3A] : memref<16x1024xf32, #tpu.memory_space<vmem_shared>> -> memref<16x128xf32, #tpu.memory_space<vmem_shared>>
        tpu.wait_dma2 semaphore(%run_scoped3A : memref<!tpu.dma_semaphore, #tpu.memory_space<semaphore_mem>>) src(%dma_wait3A_801 : memref<16x128xf32, #tpu.memory_space<vmem_shared>>) dst(%arg12 : memref<16x128xf32, #tpu.memory_space<vmem>>)
        tpu.yield
      }) : () -> ()
      %broadcast_in_dim3A = arith.constant 0.000000e+00 : f32
      %broadcast_in_dim3A_125 = vector.broadcast %broadcast_in_dim3A : f32 to vector<16xf32>
      %get3A = arith.constant 0 : i32
      %get3A_126 = arith.index_cast %get3A : i32 to index
      %get3A_127 = arith.constant 0 : index
      %get3A_128 = tpu.vector_load %arg12[%get3A_126, %get3A_127] {strides = array<i32>} : memref<16x128xf32, #tpu.memory_space<vmem>>, vector<16xf32>,
      %add3A_129 = arith.addf %broadcast_in_dim3A_125, %get3A_128 : vector<16xf32>
      %get3A_130 = arith.constant 1 : i32
      %get3A_131 = arith.index_cast %get3A_130 : i32 to index
      %get3A_132 = arith.constant 0 : index
      %get3A_133 = tpu.vector_load %arg12[%get3A_131, %get3A_132] {strides = array<i32>} : memref<16x128xf32, #tpu.memory_space<vmem>>, vector<16xf32>,
      %add3A_134 = arith.addf %add3A_129, %get3A_133 : vector<16xf32>
      %get3A_135 = arith.constant 2 : i32
      %get3A_136 = arith.index_cast %get3A_135 : i32 to index
      %get3A_137 = arith.constant 0 : index
      %get3A_138 = tpu.vector_load %arg12[%get3A_136, %get3A_137] {strides = array<i32>} : memref<16x128xf32, #tpu.memory_space<vmem>>, vector<16xf32>,
      %add3A_139 = arith.addf %add3A_134, %get3A_138 : vector<16xf32>
      %get3A_140 = arith.constant 3 : i32
      %get3A_141 = arith.index_cast %get3A_140 : i32 to index
      %get3A_142 = arith.constant 0 : index
      %get3A_143 = tpu.vector_load %arg12[%get3A_141, %get3A_142] {strides = array<i32>} : memref<16x128xf32, #tpu.memory_space<vmem>>, vector<16xf32>,
      %add3A_144 = arith.addf %add3A_139, %get3A_143 : vector<16xf32>
      %get3A_145 = arith.constant 4 : i32
      %get3A_146 = arith.index_cast %get3A_145 : i32 to index
      %get3A_147 = arith.constant 0 : index
      %get3A_148 = tpu.vector_load %arg12[%get3A_146, %get3A_147] {strides = array<i32>} : memref<16x128xf32, #tpu.memory_space<vmem>>, vector<16xf32>,
      %add3A_149 = arith.addf %add3A_144, %get3A_148 : vector<16xf32>
      %get3A_150 = arith.constant 5 : i32
      %get3A_151 = arith.index_cast %get3A_150 : i32 to index
      %get3A_152 = arith.constant 0 : index
      %get3A_153 = tpu.vector_load %arg12[%get3A_151, %get3A_152] {strides = array<i32>} : memref<16x128xf32, #tpu.memory_space<vmem>>, vector<16xf32>,
      %add3A_154 = arith.addf %add3A_149, %get3A_153 : vector<16xf32>
      %get3A_155 = arith.constant 6 : i32
      %get3A_156 = arith.index_cast %get3A_155 : i32 to index
      %get3A_157 = arith.constant 0 : index
      %get3A_158 = tpu.vector_load %arg12[%get3A_156, %get3A_157] {strides = array<i32>} : memref<16x128xf32, #tpu.memory_space<vmem>>, vector<16xf32>,
      %add3A_159 = arith.addf %add3A_154, %get3A_158 : vector<16xf32>
      %get3A_160 = arith.constant 7 : i32
      %get3A_161 = arith.index_cast %get3A_160 : i32 to index
      %get3A_162 = arith.constant 0 : index
      %get3A_163 = tpu.vector_load %arg12[%get3A_161, %get3A_162] {strides = array<i32>} : memref<16x128xf32, #tpu.memory_space<vmem>>, vector<16xf32>,
      %add3A_164 = arith.addf %add3A_159, %get3A_163 : vector<16xf32>
      %get3A_165 = arith.constant 8 : i32
      %get3A_166 = arith.index_cast %get3A_165 : i32 to index
      %get3A_167 = arith.constant 0 : index
      %get3A_168 = tpu.vector_load %arg12[%get3A_166, %get3A_167] {strides = array<i32>} : memref<16x128xf32, #tpu.memory_space<vmem>>, vector<16xf32>,
      %add3A_169 = arith.addf %add3A_164, %get3A_168 : vector<16xf32>
      %get3A_170 = arith.constant 9 : i32
      %get3A_171 = arith.index_cast %get3A_170 : i32 to index
      %get3A_172 = arith.constant 0 : index
      %get3A_173 = tpu.vector_load %arg12[%get3A_171, %get3A_172] {strides = array<i32>} : memref<16x128xf32, #tpu.memory_space<vmem>>, vector<16xf32>,
      %add3A_174 = arith.addf %add3A_169, %get3A_173 : vector<16xf32>
      %get3A_175 = arith.constant 10 : i32
      %get3A_176 = arith.index_cast %get3A_175 : i32 to index
      %get3A_177 = arith.constant 0 : index
      %get3A_178 = tpu.vector_load %arg12[%get3A_176, %get3A_177] {strides = array<i32>} : memref<16x128xf32, #tpu.memory_space<vmem>>, vector<16xf32>,
      %add3A_179 = arith.addf %add3A_174, %get3A_178 : vector<16xf32>
      %get3A_180 = arith.constant 11 : i32
      %get3A_181 = arith.index_cast %get3A_180 : i32 to index
      %get3A_182 = arith.constant 0 : index
      %get3A_183 = tpu.vector_load %arg12[%get3A_181, %get3A_182] {strides = array<i32>} : memref<16x128xf32, #tpu.memory_space<vmem>>, vector<16xf32>,
      %add3A_184 = arith.addf %add3A_179, %get3A_183 : vector<16xf32>
      %get3A_185 = arith.constant 12 : i32
      %get3A_186 = arith.index_cast %get3A_185 : i32 to index
      %get3A_187 = arith.constant 0 : index
      %get3A_188 = tpu.vector_load %arg12[%get3A_186, %get3A_187] {strides = array<i32>} : memref<16x128xf32, #tpu.memory_space<vmem>>, vector<16xf32>,
      %add3A_189 = arith.addf %add3A_184, %get3A_188 : vector<16xf32>
      %get3A_190 = arith.constant 13 : i32
      %get3A_191 = arith.index_cast %get3A_190 : i32 to index
      %get3A_192 = arith.constant 0 : index
      %get3A_193 = tpu.vector_load %arg12[%get3A_191, %get3A_192] {strides = array<i32>} : memref<16x128xf32, #tpu.memory_space<vmem>>, vector<16xf32>,
      %add3A_194 = arith.addf %add3A_189, %get3A_193 : vector<16xf32>
      %get3A_195 = arith.constant 14 : i32
      %get3A_196 = arith.index_cast %get3A_195 : i32 to index
      %get3A_197 = arith.constant 0 : index
      %get3A_198 = tpu.vector_load %arg12[%get3A_196, %get3A_197] {strides = array<i32>} : memref<16x128xf32, #tpu.memory_space<vmem>>, vector<16xf32>,
      %add3A_199 = arith.addf %add3A_194, %get3A_198 : vector<16xf32>
      %get3A_200 = arith.constant 15 : i32
      %get3A_201 = arith.index_cast %get3A_200 : i32 to index
      %get3A_202 = arith.constant 0 : index
      %get3A_203 = tpu.vector_load %arg12[%get3A_201, %get3A_202] {strides = array<i32>} : memref<16x128xf32, #tpu.memory_space<vmem>>, vector<16xf32>,
      %add3A_204 = arith.addf %add3A_199, %get3A_203 : vector<16xf32>
      %swap3A = arith.constant 0 : index
      %swap3A_205 = tpu.vector_load %arg13[%swap3A] {strides = array<i32>} : memref<128xf32, #tpu.memory_space<vmem>>, vector<16xf32>,
      tpu.vector_store %arg13[%swap3A], %add3A_204 {strides = array<i32>} : memref<128xf32, #tpu.memory_space<vmem>>, vector<16xf32>,
      %broadcast_in_dim3A_206 = arith.constant 0.000000e+00 : f32
      %broadcast_in_dim3A_207 = vector.broadcast %broadcast_in_dim3A_206 : f32 to vector<16xf32>
      %get3A_208 = arith.constant 0 : i32
      %get3A_209 = arith.index_cast %get3A_208 : i32 to index
      %get3A_210 = arith.constant 16 : index
      %get3A_211 = tpu.vector_load %arg12[%get3A_209, %get3A_210] {strides = array<i32>} : memref<16x128xf32, #tpu.memory_space<vmem>>, vector<16xf32>,
      %add3A_212 = arith.addf %broadcast_in_dim3A_207, %get3A_211 : vector<16xf32>
      %get3A_213 = arith.constant 1 : i32
      %get3A_214 = arith.index_cast %get3A_213 : i32 to index
      %get3A_215 = arith.constant 16 : index
      %get3A_216 = tpu.vector_load %arg12[%get3A_214, %get3A_215] {strides = array<i32>} : memref<16x128xf32, #tpu.memory_space<vmem>>, vector<16xf32>,
      %add3A_217 = arith.addf %add3A_212, %get3A_216 : vector<16xf32>
      %get3A_218 = arith.constant 2 : i32
      %get3A_219 = arith.index_cast %get3A_218 : i32 to index
      %get3A_220 = arith.constant 16 : index
      %get3A_221 = tpu.vector_load %arg12[%get3A_219, %get3A_220] {strides = array<i32>} : memref<16x128xf32, #tpu.memory_space<vmem>>, vector<16xf32>,
      %add3A_222 = arith.addf %add3A_217, %get3A_221 : vector<16xf32>
      %get3A_223 = arith.constant 3 : i32
      %get3A_224 = arith.index_cast %get3A_223 : i32 to index
      %get3A_225 = arith.constant 16 : index
      %get3A_226 = tpu.vector_load %arg12[%get3A_224, %get3A_225] {strides = array<i32>} : memref<16x128xf32, #tpu.memory_space<vmem>>, vector<16xf32>,
      %add3A_227 = arith.addf %add3A_222, %get3A_226 : vector<16xf32>
      %get3A_228 = arith.constant 4 : i32
      %get3A_229 = arith.index_cast %get3A_228 : i32 to index
      %get3A_230 = arith.constant 16 : index
      %get3A_231 = tpu.vector_load %arg12[%get3A_229, %get3A_230] {strides = array<i32>} : memref<16x128xf32, #tpu.memory_space<vmem>>, vector<16xf32>,
      %add3A_232 = arith.addf %add3A_227, %get3A_231 : vector<16xf32>
      %get3A_233 = arith.constant 5 : i32
      %get3A_234 = arith.index_cast %get3A_233 : i32 to index
      %get3A_235 = arith.constant 16 : index
      %get3A_236 = tpu.vector_load %arg12[%get3A_234, %get3A_235] {strides = array<i32>} : memref<16x128xf32, #tpu.memory_space<vmem>>, vector<16xf32>,
      %add3A_237 = arith.addf %add3A_232, %get3A_236 : vector<16xf32>
      %get3A_238 = arith.constant 6 : i32
      %get3A_239 = arith.index_cast %get3A_238 : i32 to index
      %get3A_240 = arith.constant 16 : index
      %get3A_241 = tpu.vector_load %arg12[%get3A_239, %get3A_240] {strides = array<i32>} : memref<16x128xf32, #tpu.memory_space<vmem>>, vector<16xf32>,
      %add3A_242 = arith.addf %add3A_237, %get3A_241 : vector<16xf32>
      %get3A_243 = arith.constant 7 : i32
      %get3A_244 = arith.index_cast %get3A_243 : i32 to index
      %get3A_245 = arith.constant 16 : index
      %get3A_246 = tpu.vector_load %arg12[%get3A_244, %get3A_245] {strides = array<i32>} : memref<16x128xf32, #tpu.memory_space<vmem>>, vector<16xf32>,
      %add3A_247 = arith.addf %add3A_242, %get3A_246 : vector<16xf32>
      %get3A_248 = arith.constant 8 : i32
      %get3A_249 = arith.index_cast %get3A_248 : i32 to index
      %get3A_250 = arith.constant 16 : index
      %get3A_251 = tpu.vector_load %arg12[%get3A_249, %get3A_250] {strides = array<i32>} : memref<16x128xf32, #tpu.memory_space<vmem>>, vector<16xf32>,
      %add3A_252 = arith.addf %add3A_247, %get3A_251 : vector<16xf32>
      %get3A_253 = arith.constant 9 : i32
      %get3A_254 = arith.index_cast %get3A_253 : i32 to index
      %get3A_255 = arith.constant 16 : index
      %get3A_256 = tpu.vector_load %arg12[%get3A_254, %get3A_255] {strides = array<i32>} : memref<16x128xf32, #tpu.memory_space<vmem>>, vector<16xf32>,
      %add3A_257 = arith.addf %add3A_252, %get3A_256 : vector<16xf32>
      %get3A_258 = arith.constant 10 : i32
      %get3A_259 = arith.index_cast %get3A_258 : i32 to index
      %get3A_260 = arith.constant 16 : index
      %get3A_261 = tpu.vector_load %arg12[%get3A_259, %get3A_260] {strides = array<i32>} : memref<16x128xf32, #tpu.memory_space<vmem>>, vector<16xf32>,
      %add3A_262 = arith.addf %add3A_257, %get3A_261 : vector<16xf32>
      %get3A_263 = arith.constant 11 : i32
      %get3A_264 = arith.index_cast %get3A_263 : i32 to index
      %get3A_265 = arith.constant 16 : index
      %get3A_266 = tpu.vector_load %arg12[%get3A_264, %get3A_265] {strides = array<i32>} : memref<16x128xf32, #tpu.memory_space<vmem>>, vector<16xf32>,
      %add3A_267 = arith.addf %add3A_262, %get3A_266 : vector<16xf32>
      %get3A_268 = arith.constant 12 : i32
      %get3A_269 = arith.index_cast %get3A_268 : i32 to index
      %get3A_270 = arith.constant 16 : index
      %get3A_271 = tpu.vector_load %arg12[%get3A_269, %get3A_270] {strides = array<i32>} : memref<16x128xf32, #tpu.memory_space<vmem>>, vector<16xf32>,
      %add3A_272 = arith.addf %add3A_267, %get3A_271 : vector<16xf32>
      %get3A_273 = arith.constant 13 : i32
      %get3A_274 = arith.index_cast %get3A_273 : i32 to index
      %get3A_275 = arith.constant 16 : index
      %get3A_276 = tpu.vector_load %arg12[%get3A_274, %get3A_275] {strides = array<i32>} : memref<16x128xf32, #tpu.memory_space<vmem>>, vector<16xf32>,
      %add3A_277 = arith.addf %add3A_272, %get3A_276 : vector<16xf32>
      %get3A_278 = arith.constant 14 : i32
      %get3A_279 = arith.index_cast %get3A_278 : i32 to index
      %get3A_280 = arith.constant 16 : index
      %get3A_281 = tpu.vector_load %arg12[%get3A_279, %get3A_280] {strides = array<i32>} : memref<16x128xf32, #tpu.memory_space<vmem>>, vector<16xf32>,
      %add3A_282 = arith.addf %add3A_277, %get3A_281 : vector<16xf32>
      %get3A_283 = arith.constant 15 : i32
      %get3A_284 = arith.index_cast %get3A_283 : i32 to index
      %get3A_285 = arith.constant 16 : index
      %get3A_286 = tpu.vector_load %arg12[%get3A_284, %get3A_285] {strides = array<i32>} : memref<16x128xf32, #tpu.memory_space<vmem>>, vector<16xf32>,
      %add3A_287 = arith.addf %add3A_282, %get3A_286 : vector<16xf32>
      %swap3A_288 = arith.constant 16 : index
      %swap3A_289 = tpu.vector_load %arg13[%swap3A_288] {strides = array<i32>} : memref<128xf32, #tpu.memory_space<vmem>>, vector<16xf32>,
      tpu.vector_store %arg13[%swap3A_288], %add3A_287 {strides = array<i32>} : memref<128xf32, #tpu.memory_space<vmem>>, vector<16xf32>,
      %broadcast_in_dim3A_290 = arith.constant 0.000000e+00 : f32
      %broadcast_in_dim3A_291 = vector.broadcast %broadcast_in_dim3A_290 : f32 to vector<16xf32>
      %get3A_292 = arith.constant 0 : i32
      %get3A_293 = arith.index_cast %get3A_292 : i32 to index
      %get3A_294 = arith.constant 32 : index
      %get3A_295 = tpu.vector_load %arg12[%get3A_293, %get3A_294] {strides = array<i32>} : memref<16x128xf32, #tpu.memory_space<vmem>>, vector<16xf32>,
      %add3A_296 = arith.addf %broadcast_in_dim3A_291, %get3A_295 : vector<16xf32>
      %get3A_297 = arith.constant 1 : i32
      %get3A_298 = arith.index_cast %get3A_297 : i32 to index
      %get3A_299 = arith.constant 32 : index
      %get3A_300 = tpu.vector_load %arg12[%get3A_298, %get3A_299] {strides = array<i32>} : memref<16x128xf32, #tpu.memory_space<vmem>>, vector<16xf32>,
      %add3A_301 = arith.addf %add3A_296, %get3A_300 : vector<16xf32>
      %get3A_302 = arith.constant 2 : i32
      %get3A_303 = arith.index_cast %get3A_302 : i32 to index
      %get3A_304 = arith.constant 32 : index
      %get3A_305 = tpu.vector_load %arg12[%get3A_303, %get3A_304] {strides = array<i32>} : memref<16x128xf32, #tpu.memory_space<vmem>>, vector<16xf32>,
      %add3A_306 = arith.addf %add3A_301, %get3A_305 : vector<16xf32>
      %get3A_307 = arith.constant 3 : i32
      %get3A_308 = arith.index_cast %get3A_307 : i32 to index
      %get3A_309 = arith.constant 32 : index
      %get3A_310 = tpu.vector_load %arg12[%get3A_308, %get3A_309] {strides = array<i32>} : memref<16x128xf32, #tpu.memory_space<vmem>>, vector<16xf32>,
      %add3A_311 = arith.addf %add3A_306, %get3A_310 : vector<16xf32>
      %get3A_312 = arith.constant 4 : i32
      %get3A_313 = arith.index_cast %get3A_312 : i32 to index
      %get3A_314 = arith.constant 32 : index
      %get3A_315 = tpu.vector_load %arg12[%get3A_313, %get3A_314] {strides = array<i32>} : memref<16x128xf32, #tpu.memory_space<vmem>>, vector<16xf32>,
      %add3A_316 = arith.addf %add3A_311, %get3A_315 : vector<16xf32>
      %get3A_317 = arith.constant 5 : i32
      %get3A_318 = arith.index_cast %get3A_317 : i32 to index
      %get3A_319 = arith.constant 32 : index
      %get3A_320 = tpu.vector_load %arg12[%get3A_318, %get3A_319] {strides = array<i32>} : memref<16x128xf32, #tpu.memory_space<vmem>>, vector<16xf32>,
      %add3A_321 = arith.addf %add3A_316, %get3A_320 : vector<16xf32>
      %get3A_322 = arith.constant 6 : i32
      %get3A_323 = arith.index_cast %get3A_322 : i32 to index
      %get3A_324 = arith.constant 32 : index
      %get3A_325 = tpu.vector_load %arg12[%get3A_323, %get3A_324] {strides = array<i32>} : memref<16x128xf32, #tpu.memory_space<vmem>>, vector<16xf32>,
      %add3A_326 = arith.addf %add3A_321, %get3A_325 : vector<16xf32>
      %get3A_327 = arith.constant 7 : i32
      %get3A_328 = arith.index_cast %get3A_327 : i32 to index
      %get3A_329 = arith.constant 32 : index
      %get3A_330 = tpu.vector_load %arg12[%get3A_328, %get3A_329] {strides = array<i32>} : memref<16x128xf32, #tpu.memory_space<vmem>>, vector<16xf32>,
      %add3A_331 = arith.addf %add3A_326, %get3A_330 : vector<16xf32>
      %get3A_332 = arith.constant 8 : i32
      %get3A_333 = arith.index_cast %get3A_332 : i32 to index
      %get3A_334 = arith.constant 32 : index
      %get3A_335 = tpu.vector_load %arg12[%get3A_333, %get3A_334] {strides = array<i32>} : memref<16x128xf32, #tpu.memory_space<vmem>>, vector<16xf32>,
      %add3A_336 = arith.addf %add3A_331, %get3A_335 : vector<16xf32>
      %get3A_337 = arith.constant 9 : i32
      %get3A_338 = arith.index_cast %get3A_337 : i32 to index
      %get3A_339 = arith.constant 32 : index
      %get3A_340 = tpu.vector_load %arg12[%get3A_338, %get3A_339] {strides = array<i32>} : memref<16x128xf32, #tpu.memory_space<vmem>>, vector<16xf32>,
      %add3A_341 = arith.addf %add3A_336, %get3A_340 : vector<16xf32>
      %get3A_342 = arith.constant 10 : i32
      %get3A_343 = arith.index_cast %get3A_342 : i32 to index
      %get3A_344 = arith.constant 32 : index
      %get3A_345 = tpu.vector_load %arg12[%get3A_343, %get3A_344] {strides = array<i32>} : memref<16x128xf32, #tpu.memory_space<vmem>>, vector<16xf32>,
      %add3A_346 = arith.addf %add3A_341, %get3A_345 : vector<16xf32>
      %get3A_347 = arith.constant 11 : i32
      %get3A_348 = arith.index_cast %get3A_347 : i32 to index
      %get3A_349 = arith.constant 32 : index
      %get3A_350 = tpu.vector_load %arg12[%get3A_348, %get3A_349] {strides = array<i32>} : memref<16x128xf32, #tpu.memory_space<vmem>>, vector<16xf32>,
      %add3A_351 = arith.addf %add3A_346, %get3A_350 : vector<16xf32>
      %get3A_352 = arith.constant 12 : i32
      %get3A_353 = arith.index_cast %get3A_352 : i32 to index
      %get3A_354 = arith.constant 32 : index
      %get3A_355 = tpu.vector_load %arg12[%get3A_353, %get3A_354] {strides = array<i32>} : memref<16x128xf32, #tpu.memory_space<vmem>>, vector<16xf32>,
      %add3A_356 = arith.addf %add3A_351, %get3A_355 : vector<16xf32>
      %get3A_357 = arith.constant 13 : i32
      %get3A_358 = arith.index_cast %get3A_357 : i32 to index
      %get3A_359 = arith.constant 32 : index
      %get3A_360 = tpu.vector_load %arg12[%get3A_358, %get3A_359] {strides = array<i32>} : memref<16x128xf32, #tpu.memory_space<vmem>>, vector<16xf32>,
      %add3A_361 = arith.addf %add3A_356, %get3A_360 : vector<16xf32>
      %get3A_362 = arith.constant 14 : i32
      %get3A_363 = arith.index_cast %get3A_362 : i32 to index
      %get3A_364 = arith.constant 32 : index
      %get3A_365 = tpu.vector_load %arg12[%get3A_363, %get3A_364] {strides = array<i32>} : memref<16x128xf32, #tpu.memory_space<vmem>>, vector<16xf32>,
      %add3A_366 = arith.addf %add3A_361, %get3A_365 : vector<16xf32>
      %get3A_367 = arith.constant 15 : i32
      %get3A_368 = arith.index_cast %get3A_367 : i32 to index
      %get3A_369 = arith.constant 32 : index
      %get3A_370 = tpu.vector_load %arg12[%get3A_368, %get3A_369] {strides = array<i32>} : memref<16x128xf32, #tpu.memory_space<vmem>>, vector<16xf32>,
      %add3A_371 = arith.addf %add3A_366, %get3A_370 : vector<16xf32>
      %swap3A_372 = arith.constant 32 : index
      %swap3A_373 = tpu.vector_load %arg13[%swap3A_372] {strides = array<i32>} : memref<128xf32, #tpu.memory_space<vmem>>, vector<16xf32>,
      tpu.vector_store %arg13[%swap3A_372], %add3A_371 {strides = array<i32>} : memref<128xf32, #tpu.memory_space<vmem>>, vector<16xf32>,
      %broadcast_in_dim3A_374 = arith.constant 0.000000e+00 : f32
      %broadcast_in_dim3A_375 = vector.broadcast %broadcast_in_dim3A_374 : f32 to vector<16xf32>
      %get3A_376 = arith.constant 0 : i32
      %get3A_377 = arith.index_cast %get3A_376 : i32 to index
      %get3A_378 = arith.constant 48 : index
      %get3A_379 = tpu.vector_load %arg12[%get3A_377, %get3A_378] {strides = array<i32>} : memref<16x128xf32, #tpu.memory_space<vmem>>, vector<16xf32>,
      %add3A_380 = arith.addf %broadcast_in_dim3A_375, %get3A_379 : vector<16xf32>
      %get3A_381 = arith.constant 1 : i32
      %get3A_382 = arith.index_cast %get3A_381 : i32 to index
      %get3A_383 = arith.constant 48 : index
      %get3A_384 = tpu.vector_load %arg12[%get3A_382, %get3A_383] {strides = array<i32>} : memref<16x128xf32, #tpu.memory_space<vmem>>, vector<16xf32>,
      %add3A_385 = arith.addf %add3A_380, %get3A_384 : vector<16xf32>
      %get3A_386 = arith.constant 2 : i32
      %get3A_387 = arith.index_cast %get3A_386 : i32 to index
      %get3A_388 = arith.constant 48 : index
      %get3A_389 = tpu.vector_load %arg12[%get3A_387, %get3A_388] {strides = array<i32>} : memref<16x128xf32, #tpu.memory_space<vmem>>, vector<16xf32>,
      %add3A_390 = arith.addf %add3A_385, %get3A_389 : vector<16xf32>
      %get3A_391 = arith.constant 3 : i32
      %get3A_392 = arith.index_cast %get3A_391 : i32 to index
      %get3A_393 = arith.constant 48 : index
      %get3A_394 = tpu.vector_load %arg12[%get3A_392, %get3A_393] {strides = array<i32>} : memref<16x128xf32, #tpu.memory_space<vmem>>, vector<16xf32>,
      %add3A_395 = arith.addf %add3A_390, %get3A_394 : vector<16xf32>
      %get3A_396 = arith.constant 4 : i32
      %get3A_397 = arith.index_cast %get3A_396 : i32 to index
      %get3A_398 = arith.constant 48 : index
      %get3A_399 = tpu.vector_load %arg12[%get3A_397, %get3A_398] {strides = array<i32>} : memref<16x128xf32, #tpu.memory_space<vmem>>, vector<16xf32>,
      %add3A_400 = arith.addf %add3A_395, %get3A_399 : vector<16xf32>
      %get3A_401 = arith.constant 5 : i32
      %get3A_402 = arith.index_cast %get3A_401 : i32 to index
      %get3A_403 = arith.constant 48 : index
      %get3A_404 = tpu.vector_load %arg12[%get3A_402, %get3A_403] {strides = array<i32>} : memref<16x128xf32, #tpu.memory_space<vmem>>, vector<16xf32>,
      %add3A_405 = arith.addf %add3A_400, %get3A_404 : vector<16xf32>
      %get3A_406 = arith.constant 6 : i32
      %get3A_407 = arith.index_cast %get3A_406 : i32 to index
      %get3A_408 = arith.constant 48 : index
      %get3A_409 = tpu.vector_load %arg12[%get3A_407, %get3A_408] {strides = array<i32>} : memref<16x128xf32, #tpu.memory_space<vmem>>, vector<16xf32>,
      %add3A_410 = arith.addf %add3A_405, %get3A_409 : vector<16xf32>
      %get3A_411 = arith.constant 7 : i32
      %get3A_412 = arith.index_cast %get3A_411 : i32 to index
      %get3A_413 = arith.constant 48 : index
      %get3A_414 = tpu.vector_load %arg12[%get3A_412, %get3A_413] {strides = array<i32>} : memref<16x128xf32, #tpu.memory_space<vmem>>, vector<16xf32>,
      %add3A_415 = arith.addf %add3A_410, %get3A_414 : vector<16xf32>
      %get3A_416 = arith.constant 8 : i32
      %get3A_417 = arith.index_cast %get3A_416 : i32 to index
      %get3A_418 = arith.constant 48 : index
      %get3A_419 = tpu.vector_load %arg12[%get3A_417, %get3A_418] {strides = array<i32>} : memref<16x128xf32, #tpu.memory_space<vmem>>, vector<16xf32>,
      %add3A_420 = arith.addf %add3A_415, %get3A_419 : vector<16xf32>
      %get3A_421 = arith.constant 9 : i32
      %get3A_422 = arith.index_cast %get3A_421 : i32 to index
      %get3A_423 = arith.constant 48 : index
      %get3A_424 = tpu.vector_load %arg12[%get3A_422, %get3A_423] {strides = array<i32>} : memref<16x128xf32, #tpu.memory_space<vmem>>, vector<16xf32>,
      %add3A_425 = arith.addf %add3A_420, %get3A_424 : vector<16xf32>
      %get3A_426 = arith.constant 10 : i32
      %get3A_427 = arith.index_cast %get3A_426 : i32 to index
      %get3A_428 = arith.constant 48 : index
      %get3A_429 = tpu.vector_load %arg12[%get3A_427, %get3A_428] {strides = array<i32>} : memref<16x128xf32, #tpu.memory_space<vmem>>, vector<16xf32>,
      %add3A_430 = arith.addf %add3A_425, %get3A_429 : vector<16xf32>
      %get3A_431 = arith.constant 11 : i32
      %get3A_432 = arith.index_cast %get3A_431 : i32 to index
      %get3A_433 = arith.constant 48 : index
      %get3A_434 = tpu.vector_load %arg12[%get3A_432, %get3A_433] {strides = array<i32>} : memref<16x128xf32, #tpu.memory_space<vmem>>, vector<16xf32>,
      %add3A_435 = arith.addf %add3A_430, %get3A_434 : vector<16xf32>
      %get3A_436 = arith.constant 12 : i32
      %get3A_437 = arith.index_cast %get3A_436 : i32 to index
      %get3A_438 = arith.constant 48 : index
      %get3A_439 = tpu.vector_load %arg12[%get3A_437, %get3A_438] {strides = array<i32>} : memref<16x128xf32, #tpu.memory_space<vmem>>, vector<16xf32>,
      %add3A_440 = arith.addf %add3A_435, %get3A_439 : vector<16xf32>
      %get3A_441 = arith.constant 13 : i32
      %get3A_442 = arith.index_cast %get3A_441 : i32 to index
      %get3A_443 = arith.constant 48 : index
      %get3A_444 = tpu.vector_load %arg12[%get3A_442, %get3A_443] {strides = array<i32>} : memref<16x128xf32, #tpu.memory_space<vmem>>, vector<16xf32>,
      %add3A_445 = arith.addf %add3A_440, %get3A_444 : vector<16xf32>
      %get3A_446 = arith.constant 14 : i32
      %get3A_447 = arith.index_cast %get3A_446 : i32 to index
      %get3A_448 = arith.constant 48 : index
      %get3A_449 = tpu.vector_load %arg12[%get3A_447, %get3A_448] {strides = array<i32>} : memref<16x128xf32, #tpu.memory_space<vmem>>, vector<16xf32>,
      %add3A_450 = arith.addf %add3A_445, %get3A_449 : vector<16xf32>
      %get3A_451 = arith.constant 15 : i32
      %get3A_452 = arith.index_cast %get3A_451 : i32 to index
      %get3A_453 = arith.constant 48 : index
      %get3A_454 = tpu.vector_load %arg12[%get3A_452, %get3A_453] {strides = array<i32>} : memref<16x128xf32, #tpu.memory_space<vmem>>, vector<16xf32>,
      %add3A_455 = arith.addf %add3A_450, %get3A_454 : vector<16xf32>
      %swap3A_456 = arith.constant 48 : index
      %swap3A_457 = tpu.vector_load %arg13[%swap3A_456] {strides = array<i32>} : memref<128xf32, #tpu.memory_space<vmem>>, vector<16xf32>,
      tpu.vector_store %arg13[%swap3A_456], %add3A_455 {strides = array<i32>} : memref<128xf32, #tpu.memory_space<vmem>>, vector<16xf32>,
      %broadcast_in_dim3A_458 = arith.constant 0.000000e+00 : f32
      %broadcast_in_dim3A_459 = vector.broadcast %broadcast_in_dim3A_458 : f32 to vector<16xf32>
      %get3A_460 = arith.constant 0 : i32
      %get3A_461 = arith.index_cast %get3A_460 : i32 to index
      %get3A_462 = arith.constant 64 : index
      %get3A_463 = tpu.vector_load %arg12[%get3A_461, %get3A_462] {strides = array<i32>} : memref<16x128xf32, #tpu.memory_space<vmem>>, vector<16xf32>,
      %add3A_464 = arith.addf %broadcast_in_dim3A_459, %get3A_463 : vector<16xf32>
      %get3A_465 = arith.constant 1 : i32
      %get3A_466 = arith.index_cast %get3A_465 : i32 to index
      %get3A_467 = arith.constant 64 : index
      %get3A_468 = tpu.vector_load %arg12[%get3A_466, %get3A_467] {strides = array<i32>} : memref<16x128xf32, #tpu.memory_space<vmem>>, vector<16xf32>,
      %add3A_469 = arith.addf %add3A_464, %get3A_468 : vector<16xf32>
      %get3A_470 = arith.constant 2 : i32
      %get3A_471 = arith.index_cast %get3A_470 : i32 to index
      %get3A_472 = arith.constant 64 : index
      %get3A_473 = tpu.vector_load %arg12[%get3A_471, %get3A_472] {strides = array<i32>} : memref<16x128xf32, #tpu.memory_space<vmem>>, vector<16xf32>,
      %add3A_474 = arith.addf %add3A_469, %get3A_473 : vector<16xf32>
      %get3A_475 = arith.constant 3 : i32
      %get3A_476 = arith.index_cast %get3A_475 : i32 to index
      %get3A_477 = arith.constant 64 : index
      %get3A_478 = tpu.vector_load %arg12[%get3A_476, %get3A_477] {strides = array<i32>} : memref<16x128xf32, #tpu.memory_space<vmem>>, vector<16xf32>,
      %add3A_479 = arith.addf %add3A_474, %get3A_478 : vector<16xf32>
      %get3A_480 = arith.constant 4 : i32
      %get3A_481 = arith.index_cast %get3A_480 : i32 to index
      %get3A_482 = arith.constant 64 : index
      %get3A_483 = tpu.vector_load %arg12[%get3A_481, %get3A_482] {strides = array<i32>} : memref<16x128xf32, #tpu.memory_space<vmem>>, vector<16xf32>,
      %add3A_484 = arith.addf %add3A_479, %get3A_483 : vector<16xf32>
      %get3A_485 = arith.constant 5 : i32
      %get3A_486 = arith.index_cast %get3A_485 : i32 to index
      %get3A_487 = arith.constant 64 : index
      %get3A_488 = tpu.vector_load %arg12[%get3A_486, %get3A_487] {strides = array<i32>} : memref<16x128xf32, #tpu.memory_space<vmem>>, vector<16xf32>,
      %add3A_489 = arith.addf %add3A_484, %get3A_488 : vector<16xf32>
      %get3A_490 = arith.constant 6 : i32
      %get3A_491 = arith.index_cast %get3A_490 : i32 to index
      %get3A_492 = arith.constant 64 : index
      %get3A_493 = tpu.vector_load %arg12[%get3A_491, %get3A_492] {strides = array<i32>} : memref<16x128xf32, #tpu.memory_space<vmem>>, vector<16xf32>,
      %add3A_494 = arith.addf %add3A_489, %get3A_493 : vector<16xf32>
      %get3A_495 = arith.constant 7 : i32
      %get3A_496 = arith.index_cast %get3A_495 : i32 to index
      %get3A_497 = arith.constant 64 : index
      %get3A_498 = tpu.vector_load %arg12[%get3A_496, %get3A_497] {strides = array<i32>} : memref<16x128xf32, #tpu.memory_space<vmem>>, vector<16xf32>,
      %add3A_499 = arith.addf %add3A_494, %get3A_498 : vector<16xf32>
      %get3A_500 = arith.constant 8 : i32
      %get3A_501 = arith.index_cast %get3A_500 : i32 to index
      %get3A_502 = arith.constant 64 : index
      %get3A_503 = tpu.vector_load %arg12[%get3A_501, %get3A_502] {strides = array<i32>} : memref<16x128xf32, #tpu.memory_space<vmem>>, vector<16xf32>,
      %add3A_504 = arith.addf %add3A_499, %get3A_503 : vector<16xf32>
      %get3A_505 = arith.constant 9 : i32
      %get3A_506 = arith.index_cast %get3A_505 : i32 to index
      %get3A_507 = arith.constant 64 : index
      %get3A_508 = tpu.vector_load %arg12[%get3A_506, %get3A_507] {strides = array<i32>} : memref<16x128xf32, #tpu.memory_space<vmem>>, vector<16xf32>,
      %add3A_509 = arith.addf %add3A_504, %get3A_508 : vector<16xf32>
      %get3A_510 = arith.constant 10 : i32
      %get3A_511 = arith.index_cast %get3A_510 : i32 to index
      %get3A_512 = arith.constant 64 : index
      %get3A_513 = tpu.vector_load %arg12[%get3A_511, %get3A_512] {strides = array<i32>} : memref<16x128xf32, #tpu.memory_space<vmem>>, vector<16xf32>,
      %add3A_514 = arith.addf %add3A_509, %get3A_513 : vector<16xf32>
      %get3A_515 = arith.constant 11 : i32
      %get3A_516 = arith.index_cast %get3A_515 : i32 to index
      %get3A_517 = arith.constant 64 : index
      %get3A_518 = tpu.vector_load %arg12[%get3A_516, %get3A_517] {strides = array<i32>} : memref<16x128xf32, #tpu.memory_space<vmem>>, vector<16xf32>,
      %add3A_519 = arith.addf %add3A_514, %get3A_518 : vector<16xf32>
      %get3A_520 = arith.constant 12 : i32
      %get3A_521 = arith.index_cast %get3A_520 : i32 to index
      %get3A_522 = arith.constant 64 : index
      %get3A_523 = tpu.vector_load %arg12[%get3A_521, %get3A_522] {strides = array<i32>} : memref<16x128xf32, #tpu.memory_space<vmem>>, vector<16xf32>,
      %add3A_524 = arith.addf %add3A_519, %get3A_523 : vector<16xf32>
      %get3A_525 = arith.constant 13 : i32
      %get3A_526 = arith.index_cast %get3A_525 : i32 to index
      %get3A_527 = arith.constant 64 : index
      %get3A_528 = tpu.vector_load %arg12[%get3A_526, %get3A_527] {strides = array<i32>} : memref<16x128xf32, #tpu.memory_space<vmem>>, vector<16xf32>,
      %add3A_529 = arith.addf %add3A_524, %get3A_528 : vector<16xf32>
      %get3A_530 = arith.constant 14 : i32
      %get3A_531 = arith.index_cast %get3A_530 : i32 to index
      %get3A_532 = arith.constant 64 : index
      %get3A_533 = tpu.vector_load %arg12[%get3A_531, %get3A_532] {strides = array<i32>} : memref<16x128xf32, #tpu.memory_space<vmem>>, vector<16xf32>,
      %add3A_534 = arith.addf %add3A_529, %get3A_533 : vector<16xf32>
      %get3A_535 = arith.constant 15 : i32
      %get3A_536 = arith.index_cast %get3A_535 : i32 to index
      %get3A_537 = arith.constant 64 : index
      %get3A_538 = tpu.vector_load %arg12[%get3A_536, %get3A_537] {strides = array<i32>} : memref<16x128xf32, #tpu.memory_space<vmem>>, vector<16xf32>,
      %add3A_539 = arith.addf %add3A_534, %get3A_538 : vector<16xf32>
      %swap3A_540 = arith.constant 64 : index
      %swap3A_541 = tpu.vector_load %arg13[%swap3A_540] {strides = array<i32>} : memref<128xf32, #tpu.memory_space<vmem>>, vector<16xf32>,
      tpu.vector_store %arg13[%swap3A_540], %add3A_539 {strides = array<i32>} : memref<128xf32, #tpu.memory_space<vmem>>, vector<16xf32>,
      %broadcast_in_dim3A_542 = arith.constant 0.000000e+00 : f32
      %broadcast_in_dim3A_543 = vector.broadcast %broadcast_in_dim3A_542 : f32 to vector<16xf32>
      %get3A_544 = arith.constant 0 : i32
      %get3A_545 = arith.index_cast %get3A_544 : i32 to index
      %get3A_546 = arith.constant 80 : index
      %get3A_547 = tpu.vector_load %arg12[%get3A_545, %get3A_546] {strides = array<i32>} : memref<16x128xf32, #tpu.memory_space<vmem>>, vector<16xf32>,
      %add3A_548 = arith.addf %broadcast_in_dim3A_543, %get3A_547 : vector<16xf32>
      %get3A_549 = arith.constant 1 : i32
      %get3A_550 = arith.index_cast %get3A_549 : i32 to index
      %get3A_551 = arith.constant 80 : index
      %get3A_552 = tpu.vector_load %arg12[%get3A_550, %get3A_551] {strides = array<i32>} : memref<16x128xf32, #tpu.memory_space<vmem>>, vector<16xf32>,
      %add3A_553 = arith.addf %add3A_548, %get3A_552 : vector<16xf32>
      %get3A_554 = arith.constant 2 : i32
      %get3A_555 = arith.index_cast %get3A_554 : i32 to index
      %get3A_556 = arith.constant 80 : index
      %get3A_557 = tpu.vector_load %arg12[%get3A_555, %get3A_556] {strides = array<i32>} : memref<16x128xf32, #tpu.memory_space<vmem>>, vector<16xf32>,
      %add3A_558 = arith.addf %add3A_553, %get3A_557 : vector<16xf32>
      %get3A_559 = arith.constant 3 : i32
      %get3A_560 = arith.index_cast %get3A_559 : i32 to index
      %get3A_561 = arith.constant 80 : index
      %get3A_562 = tpu.vector_load %arg12[%get3A_560, %get3A_561] {strides = array<i32>} : memref<16x128xf32, #tpu.memory_space<vmem>>, vector<16xf32>,
      %add3A_563 = arith.addf %add3A_558, %get3A_562 : vector<16xf32>
      %get3A_564 = arith.constant 4 : i32
      %get3A_565 = arith.index_cast %get3A_564 : i32 to index
      %get3A_566 = arith.constant 80 : index
      %get3A_567 = tpu.vector_load %arg12[%get3A_565, %get3A_566] {strides = array<i32>} : memref<16x128xf32, #tpu.memory_space<vmem>>, vector<16xf32>,
      %add3A_568 = arith.addf %add3A_563, %get3A_567 : vector<16xf32>
      %get3A_569 = arith.constant 5 : i32
      %get3A_570 = arith.index_cast %get3A_569 : i32 to index
      %get3A_571 = arith.constant 80 : index
      %get3A_572 = tpu.vector_load %arg12[%get3A_570, %get3A_571] {strides = array<i32>} : memref<16x128xf32, #tpu.memory_space<vmem>>, vector<16xf32>,
      %add3A_573 = arith.addf %add3A_568, %get3A_572 : vector<16xf32>
      %get3A_574 = arith.constant 6 : i32
      %get3A_575 = arith.index_cast %get3A_574 : i32 to index
      %get3A_576 = arith.constant 80 : index
      %get3A_577 = tpu.vector_load %arg12[%get3A_575, %get3A_576] {strides = array<i32>} : memref<16x128xf32, #tpu.memory_space<vmem>>, vector<16xf32>,
      %add3A_578 = arith.addf %add3A_573, %get3A_577 : vector<16xf32>
      %get3A_579 = arith.constant 7 : i32
      %get3A_580 = arith.index_cast %get3A_579 : i32 to index
      %get3A_581 = arith.constant 80 : index
      %get3A_582 = tpu.vector_load %arg12[%get3A_580, %get3A_581] {strides = array<i32>} : memref<16x128xf32, #tpu.memory_space<vmem>>, vector<16xf32>,
      %add3A_583 = arith.addf %add3A_578, %get3A_582 : vector<16xf32>
      %get3A_584 = arith.constant 8 : i32
      %get3A_585 = arith.index_cast %get3A_584 : i32 to index
      %get3A_586 = arith.constant 80 : index
      %get3A_587 = tpu.vector_load %arg12[%get3A_585, %get3A_586] {strides = array<i32>} : memref<16x128xf32, #tpu.memory_space<vmem>>, vector<16xf32>,
      %add3A_588 = arith.addf %add3A_583, %get3A_587 : vector<16xf32>
      %get3A_589 = arith.constant 9 : i32
      %get3A_590 = arith.index_cast %get3A_589 : i32 to index
      %get3A_591 = arith.constant 80 : index
      %get3A_592 = tpu.vector_load %arg12[%get3A_590, %get3A_591] {strides = array<i32>} : memref<16x128xf32, #tpu.memory_space<vmem>>, vector<16xf32>,
      %add3A_593 = arith.addf %add3A_588, %get3A_592 : vector<16xf32>
      %get3A_594 = arith.constant 10 : i32
      %get3A_595 = arith.index_cast %get3A_594 : i32 to index
      %get3A_596 = arith.constant 80 : index
      %get3A_597 = tpu.vector_load %arg12[%get3A_595, %get3A_596] {strides = array<i32>} : memref<16x128xf32, #tpu.memory_space<vmem>>, vector<16xf32>,
      %add3A_598 = arith.addf %add3A_593, %get3A_597 : vector<16xf32>
      %get3A_599 = arith.constant 11 : i32
      %get3A_600 = arith.index_cast %get3A_599 : i32 to index
      %get3A_601 = arith.constant 80 : index
      %get3A_602 = tpu.vector_load %arg12[%get3A_600, %get3A_601] {strides = array<i32>} : memref<16x128xf32, #tpu.memory_space<vmem>>, vector<16xf32>,
      %add3A_603 = arith.addf %add3A_598, %get3A_602 : vector<16xf32>
      %get3A_604 = arith.constant 12 : i32
      %get3A_605 = arith.index_cast %get3A_604 : i32 to index
      %get3A_606 = arith.constant 80 : index
      %get3A_607 = tpu.vector_load %arg12[%get3A_605, %get3A_606] {strides = array<i32>} : memref<16x128xf32, #tpu.memory_space<vmem>>, vector<16xf32>,
      %add3A_608 = arith.addf %add3A_603, %get3A_607 : vector<16xf32>
      %get3A_609 = arith.constant 13 : i32
      %get3A_610 = arith.index_cast %get3A_609 : i32 to index
      %get3A_611 = arith.constant 80 : index
      %get3A_612 = tpu.vector_load %arg12[%get3A_610, %get3A_611] {strides = array<i32>} : memref<16x128xf32, #tpu.memory_space<vmem>>, vector<16xf32>,
      %add3A_613 = arith.addf %add3A_608, %get3A_612 : vector<16xf32>
      %get3A_614 = arith.constant 14 : i32
      %get3A_615 = arith.index_cast %get3A_614 : i32 to index
      %get3A_616 = arith.constant 80 : index
      %get3A_617 = tpu.vector_load %arg12[%get3A_615, %get3A_616] {strides = array<i32>} : memref<16x128xf32, #tpu.memory_space<vmem>>, vector<16xf32>,
      %add3A_618 = arith.addf %add3A_613, %get3A_617 : vector<16xf32>
      %get3A_619 = arith.constant 15 : i32
      %get3A_620 = arith.index_cast %get3A_619 : i32 to index
      %get3A_621 = arith.constant 80 : index
      %get3A_622 = tpu.vector_load %arg12[%get3A_620, %get3A_621] {strides = array<i32>} : memref<16x128xf32, #tpu.memory_space<vmem>>, vector<16xf32>,
      %add3A_623 = arith.addf %add3A_618, %get3A_622 : vector<16xf32>
      %swap3A_624 = arith.constant 80 : index
      %swap3A_625 = tpu.vector_load %arg13[%swap3A_624] {strides = array<i32>} : memref<128xf32, #tpu.memory_space<vmem>>, vector<16xf32>,
      tpu.vector_store %arg13[%swap3A_624], %add3A_623 {strides = array<i32>} : memref<128xf32, #tpu.memory_space<vmem>>, vector<16xf32>,
      %broadcast_in_dim3A_626 = arith.constant 0.000000e+00 : f32
      %broadcast_in_dim3A_627 = vector.broadcast %broadcast_in_dim3A_626 : f32 to vector<16xf32>
      %get3A_628 = arith.constant 0 : i32
      %get3A_629 = arith.index_cast %get3A_628 : i32 to index
      %get3A_630 = arith.constant 96 : index
      %get3A_631 = tpu.vector_load %arg12[%get3A_629, %get3A_630] {strides = array<i32>} : memref<16x128xf32, #tpu.memory_space<vmem>>, vector<16xf32>,
      %add3A_632 = arith.addf %broadcast_in_dim3A_627, %get3A_631 : vector<16xf32>
      %get3A_633 = arith.constant 1 : i32
      %get3A_634 = arith.index_cast %get3A_633 : i32 to index
      %get3A_635 = arith.constant 96 : index
      %get3A_636 = tpu.vector_load %arg12[%get3A_634, %get3A_635] {strides = array<i32>} : memref<16x128xf32, #tpu.memory_space<vmem>>, vector<16xf32>,
      %add3A_637 = arith.addf %add3A_632, %get3A_636 : vector<16xf32>
      %get3A_638 = arith.constant 2 : i32
      %get3A_639 = arith.index_cast %get3A_638 : i32 to index
      %get3A_640 = arith.constant 96 : index
      %get3A_641 = tpu.vector_load %arg12[%get3A_639, %get3A_640] {strides = array<i32>} : memref<16x128xf32, #tpu.memory_space<vmem>>, vector<16xf32>,
      %add3A_642 = arith.addf %add3A_637, %get3A_641 : vector<16xf32>
      %get3A_643 = arith.constant 3 : i32
      %get3A_644 = arith.index_cast %get3A_643 : i32 to index
      %get3A_645 = arith.constant 96 : index
      %get3A_646 = tpu.vector_load %arg12[%get3A_644, %get3A_645] {strides = array<i32>} : memref<16x128xf32, #tpu.memory_space<vmem>>, vector<16xf32>,
      %add3A_647 = arith.addf %add3A_642, %get3A_646 : vector<16xf32>
      %get3A_648 = arith.constant 4 : i32
      %get3A_649 = arith.index_cast %get3A_648 : i32 to index
      %get3A_650 = arith.constant 96 : index
      %get3A_651 = tpu.vector_load %arg12[%get3A_649, %get3A_650] {strides = array<i32>} : memref<16x128xf32, #tpu.memory_space<vmem>>, vector<16xf32>,
      %add3A_652 = arith.addf %add3A_647, %get3A_651 : vector<16xf32>
      %get3A_653 = arith.constant 5 : i32
      %get3A_654 = arith.index_cast %get3A_653 : i32 to index
      %get3A_655 = arith.constant 96 : index
      %get3A_656 = tpu.vector_load %arg12[%get3A_654, %get3A_655] {strides = array<i32>} : memref<16x128xf32, #tpu.memory_space<vmem>>, vector<16xf32>,
      %add3A_657 = arith.addf %add3A_652, %get3A_656 : vector<16xf32>
      %get3A_658 = arith.constant 6 : i32
      %get3A_659 = arith.index_cast %get3A_658 : i32 to index
      %get3A_660 = arith.constant 96 : index
      %get3A_661 = tpu.vector_load %arg12[%get3A_659, %get3A_660] {strides = array<i32>} : memref<16x128xf32, #tpu.memory_space<vmem>>, vector<16xf32>,
      %add3A_662 = arith.addf %add3A_657, %get3A_661 : vector<16xf32>
      %get3A_663 = arith.constant 7 : i32
      %get3A_664 = arith.index_cast %get3A_663 : i32 to index
      %get3A_665 = arith.constant 96 : index
      %get3A_666 = tpu.vector_load %arg12[%get3A_664, %get3A_665] {strides = array<i32>} : memref<16x128xf32, #tpu.memory_space<vmem>>, vector<16xf32>,
      %add3A_667 = arith.addf %add3A_662, %get3A_666 : vector<16xf32>
      %get3A_668 = arith.constant 8 : i32
      %get3A_669 = arith.index_cast %get3A_668 : i32 to index
      %get3A_670 = arith.constant 96 : index
      %get3A_671 = tpu.vector_load %arg12[%get3A_669, %get3A_670] {strides = array<i32>} : memref<16x128xf32, #tpu.memory_space<vmem>>, vector<16xf32>,
      %add3A_672 = arith.addf %add3A_667, %get3A_671 : vector<16xf32>
      %get3A_673 = arith.constant 9 : i32
      %get3A_674 = arith.index_cast %get3A_673 : i32 to index
      %get3A_675 = arith.constant 96 : index
      %get3A_676 = tpu.vector_load %arg12[%get3A_674, %get3A_675] {strides = array<i32>} : memref<16x128xf32, #tpu.memory_space<vmem>>, vector<16xf32>,
      %add3A_677 = arith.addf %add3A_672, %get3A_676 : vector<16xf32>
      %get3A_678 = arith.constant 10 : i32
      %get3A_679 = arith.index_cast %get3A_678 : i32 to index
      %get3A_680 = arith.constant 96 : index
      %get3A_681 = tpu.vector_load %arg12[%get3A_679, %get3A_680] {strides = array<i32>} : memref<16x128xf32, #tpu.memory_space<vmem>>, vector<16xf32>,
      %add3A_682 = arith.addf %add3A_677, %get3A_681 : vector<16xf32>
      %get3A_683 = arith.constant 11 : i32
      %get3A_684 = arith.index_cast %get3A_683 : i32 to index
      %get3A_685 = arith.constant 96 : index
      %get3A_686 = tpu.vector_load %arg12[%get3A_684, %get3A_685] {strides = array<i32>} : memref<16x128xf32, #tpu.memory_space<vmem>>, vector<16xf32>,
      %add3A_687 = arith.addf %add3A_682, %get3A_686 : vector<16xf32>
      %get3A_688 = arith.constant 12 : i32
      %get3A_689 = arith.index_cast %get3A_688 : i32 to index
      %get3A_690 = arith.constant 96 : index
      %get3A_691 = tpu.vector_load %arg12[%get3A_689, %get3A_690] {strides = array<i32>} : memref<16x128xf32, #tpu.memory_space<vmem>>, vector<16xf32>,
      %add3A_692 = arith.addf %add3A_687, %get3A_691 : vector<16xf32>
      %get3A_693 = arith.constant 13 : i32
      %get3A_694 = arith.index_cast %get3A_693 : i32 to index
      %get3A_695 = arith.constant 96 : index
      %get3A_696 = tpu.vector_load %arg12[%get3A_694, %get3A_695] {strides = array<i32>} : memref<16x128xf32, #tpu.memory_space<vmem>>, vector<16xf32>,
      %add3A_697 = arith.addf %add3A_692, %get3A_696 : vector<16xf32>
      %get3A_698 = arith.constant 14 : i32
      %get3A_699 = arith.index_cast %get3A_698 : i32 to index
      %get3A_700 = arith.constant 96 : index
      %get3A_701 = tpu.vector_load %arg12[%get3A_699, %get3A_700] {strides = array<i32>} : memref<16x128xf32, #tpu.memory_space<vmem>>, vector<16xf32>,
      %add3A_702 = arith.addf %add3A_697, %get3A_701 : vector<16xf32>
      %get3A_703 = arith.constant 15 : i32
      %get3A_704 = arith.index_cast %get3A_703 : i32 to index
      %get3A_705 = arith.constant 96 : index
      %get3A_706 = tpu.vector_load %arg12[%get3A_704, %get3A_705] {strides = array<i32>} : memref<16x128xf32, #tpu.memory_space<vmem>>, vector<16xf32>,
      %add3A_707 = arith.addf %add3A_702, %get3A_706 : vector<16xf32>
      %swap3A_708 = arith.constant 96 : index
      %swap3A_709 = tpu.vector_load %arg13[%swap3A_708] {strides = array<i32>} : memref<128xf32, #tpu.memory_space<vmem>>, vector<16xf32>,
      tpu.vector_store %arg13[%swap3A_708], %add3A_707 {strides = array<i32>} : memref<128xf32, #tpu.memory_space<vmem>>, vector<16xf32>,
      %broadcast_in_dim3A_710 = arith.constant 0.000000e+00 : f32
      %broadcast_in_dim3A_711 = vector.broadcast %broadcast_in_dim3A_710 : f32 to vector<16xf32>
      %get3A_712 = arith.constant 0 : i32
      %get3A_713 = arith.index_cast %get3A_712 : i32 to index
      %get3A_714 = arith.constant 112 : index
      %get3A_715 = tpu.vector_load %arg12[%get3A_713, %get3A_714] {strides = array<i32>} : memref<16x128xf32, #tpu.memory_space<vmem>>, vector<16xf32>,
      %add3A_716 = arith.addf %broadcast_in_dim3A_711, %get3A_715 : vector<16xf32>
      %get3A_717 = arith.constant 1 : i32
      %get3A_718 = arith.index_cast %get3A_717 : i32 to index
      %get3A_719 = arith.constant 112 : index
      %get3A_720 = tpu.vector_load %arg12[%get3A_718, %get3A_719] {strides = array<i32>} : memref<16x128xf32, #tpu.memory_space<vmem>>, vector<16xf32>,
      %add3A_721 = arith.addf %add3A_716, %get3A_720 : vector<16xf32>
      %get3A_722 = arith.constant 2 : i32
      %get3A_723 = arith.index_cast %get3A_722 : i32 to index
      %get3A_724 = arith.constant 112 : index
      %get3A_725 = tpu.vector_load %arg12[%get3A_723, %get3A_724] {strides = array<i32>} : memref<16x128xf32, #tpu.memory_space<vmem>>, vector<16xf32>,
      %add3A_726 = arith.addf %add3A_721, %get3A_725 : vector<16xf32>
      %get3A_727 = arith.constant 3 : i32
      %get3A_728 = arith.index_cast %get3A_727 : i32 to index
      %get3A_729 = arith.constant 112 : index
      %get3A_730 = tpu.vector_load %arg12[%get3A_728, %get3A_729] {strides = array<i32>} : memref<16x128xf32, #tpu.memory_space<vmem>>, vector<16xf32>,
      %add3A_731 = arith.addf %add3A_726, %get3A_730 : vector<16xf32>
      %get3A_732 = arith.constant 4 : i32
      %get3A_733 = arith.index_cast %get3A_732 : i32 to index
      %get3A_734 = arith.constant 112 : index
      %get3A_735 = tpu.vector_load %arg12[%get3A_733, %get3A_734] {strides = array<i32>} : memref<16x128xf32, #tpu.memory_space<vmem>>, vector<16xf32>,
      %add3A_736 = arith.addf %add3A_731, %get3A_735 : vector<16xf32>
      %get3A_737 = arith.constant 5 : i32
      %get3A_738 = arith.index_cast %get3A_737 : i32 to index
      %get3A_739 = arith.constant 112 : index
      %get3A_740 = tpu.vector_load %arg12[%get3A_738, %get3A_739] {strides = array<i32>} : memref<16x128xf32, #tpu.memory_space<vmem>>, vector<16xf32>,
      %add3A_741 = arith.addf %add3A_736, %get3A_740 : vector<16xf32>
      %get3A_742 = arith.constant 6 : i32
      %get3A_743 = arith.index_cast %get3A_742 : i32 to index
      %get3A_744 = arith.constant 112 : index
      %get3A_745 = tpu.vector_load %arg12[%get3A_743, %get3A_744] {strides = array<i32>} : memref<16x128xf32, #tpu.memory_space<vmem>>, vector<16xf32>,
      %add3A_746 = arith.addf %add3A_741, %get3A_745 : vector<16xf32>
      %get3A_747 = arith.constant 7 : i32
      %get3A_748 = arith.index_cast %get3A_747 : i32 to index
      %get3A_749 = arith.constant 112 : index
      %get3A_750 = tpu.vector_load %arg12[%get3A_748, %get3A_749] {strides = array<i32>} : memref<16x128xf32, #tpu.memory_space<vmem>>, vector<16xf32>,
      %add3A_751 = arith.addf %add3A_746, %get3A_750 : vector<16xf32>
      %get3A_752 = arith.constant 8 : i32
      %get3A_753 = arith.index_cast %get3A_752 : i32 to index
      %get3A_754 = arith.constant 112 : index
      %get3A_755 = tpu.vector_load %arg12[%get3A_753, %get3A_754] {strides = array<i32>} : memref<16x128xf32, #tpu.memory_space<vmem>>, vector<16xf32>,
      %add3A_756 = arith.addf %add3A_751, %get3A_755 : vector<16xf32>
      %get3A_757 = arith.constant 9 : i32
      %get3A_758 = arith.index_cast %get3A_757 : i32 to index
      %get3A_759 = arith.constant 112 : index
      %get3A_760 = tpu.vector_load %arg12[%get3A_758, %get3A_759] {strides = array<i32>} : memref<16x128xf32, #tpu.memory_space<vmem>>, vector<16xf32>,
      %add3A_761 = arith.addf %add3A_756, %get3A_760 : vector<16xf32>
      %get3A_762 = arith.constant 10 : i32
      %get3A_763 = arith.index_cast %get3A_762 : i32 to index
      %get3A_764 = arith.constant 112 : index
      %get3A_765 = tpu.vector_load %arg12[%get3A_763, %get3A_764] {strides = array<i32>} : memref<16x128xf32, #tpu.memory_space<vmem>>, vector<16xf32>,
      %add3A_766 = arith.addf %add3A_761, %get3A_765 : vector<16xf32>
      %get3A_767 = arith.constant 11 : i32
      %get3A_768 = arith.index_cast %get3A_767 : i32 to index
      %get3A_769 = arith.constant 112 : index
      %get3A_770 = tpu.vector_load %arg12[%get3A_768, %get3A_769] {strides = array<i32>} : memref<16x128xf32, #tpu.memory_space<vmem>>, vector<16xf32>,
      %add3A_771 = arith.addf %add3A_766, %get3A_770 : vector<16xf32>
      %get3A_772 = arith.constant 12 : i32
      %get3A_773 = arith.index_cast %get3A_772 : i32 to index
      %get3A_774 = arith.constant 112 : index
      %get3A_775 = tpu.vector_load %arg12[%get3A_773, %get3A_774] {strides = array<i32>} : memref<16x128xf32, #tpu.memory_space<vmem>>, vector<16xf32>,
      %add3A_776 = arith.addf %add3A_771, %get3A_775 : vector<16xf32>
      %get3A_777 = arith.constant 13 : i32
      %get3A_778 = arith.index_cast %get3A_777 : i32 to index
      %get3A_779 = arith.constant 112 : index
      %get3A_780 = tpu.vector_load %arg12[%get3A_778, %get3A_779] {strides = array<i32>} : memref<16x128xf32, #tpu.memory_space<vmem>>, vector<16xf32>,
      %add3A_781 = arith.addf %add3A_776, %get3A_780 : vector<16xf32>
      %get3A_782 = arith.constant 14 : i32
      %get3A_783 = arith.index_cast %get3A_782 : i32 to index
      %get3A_784 = arith.constant 112 : index
      %get3A_785 = tpu.vector_load %arg12[%get3A_783, %get3A_784] {strides = array<i32>} : memref<16x128xf32, #tpu.memory_space<vmem>>, vector<16xf32>,
      %add3A_786 = arith.addf %add3A_781, %get3A_785 : vector<16xf32>
      %get3A_787 = arith.constant 15 : i32
      %get3A_788 = arith.index_cast %get3A_787 : i32 to index
      %get3A_789 = arith.constant 112 : index
      %get3A_790 = tpu.vector_load %arg12[%get3A_788, %get3A_789] {strides = array<i32>} : memref<16x128xf32, #tpu.memory_space<vmem>>, vector<16xf32>,
      %add3A_791 = arith.addf %add3A_786, %get3A_790 : vector<16xf32>
      %swap3A_792 = arith.constant 112 : index
      %swap3A_793 = tpu.vector_load %arg13[%swap3A_792] {strides = array<i32>} : memref<128xf32, #tpu.memory_space<vmem>>, vector<16xf32>,
      tpu.vector_store %arg13[%swap3A_792], %add3A_791 {strides = array<i32>} : memref<128xf32, #tpu.memory_space<vmem>>, vector<16xf32>,
      "tpu.region"() ({
        %run_scoped3A = tpu.sem_alloc : memref<!tpu.dma_semaphore, #tpu.memory_space<semaphore_mem>>
        %dma_start3A_794 = tpu.memref_slice %arg6[%multiple_of3A] : memref<1024xf32, #tpu.memory_space<hbm>> -> memref<128xf32, #tpu.memory_space<hbm>>
        %dma_start3A_795 = tpu.memref_slice %arg6[%multiple_of3A] : memref<1024xf32, #tpu.memory_space<hbm>> -> memref<128xf32, #tpu.memory_space<hbm>>
        tpu.enqueue_dma source(%arg13 : memref<128xf32, #tpu.memory_space<vmem>>) target(%dma_start3A_795 : memref<128xf32, #tpu.memory_space<hbm>>) target_semaphore(%run_scoped3A : memref<!tpu.dma_semaphore, #tpu.memory_space<semaphore_mem>>)
        %dma_wait3A_796 = tpu.memref_slice %arg6[%multiple_of3A] : memref<1024xf32, #tpu.memory_space<hbm>> -> memref<128xf32, #tpu.memory_space<hbm>>
        %dma_wait3A_797 = tpu.memref_slice %arg6[%multiple_of3A] : memref<1024xf32, #tpu.memory_space<hbm>> -> memref<128xf32, #tpu.memory_space<hbm>>
        tpu.wait_dma2 semaphore(%run_scoped3A : memref<!tpu.dma_semaphore, #tpu.memory_space<semaphore_mem>>) src(%arg13 : memref<128xf32, #tpu.memory_space<vmem>>) dst(%dma_wait3A_797 : memref<128xf32, #tpu.memory_space<hbm>>)
        tpu.yield
      }) : () -> ()
    } else {
    }
    %dma_wait3A = arith.constant 0 : i32
    %dma_wait3A_34 = arith.constant 0 : i32
    %dma_wait3A_35 = tpu.memref_slice %arg10[%dma_wait3A, %dma_wait3A_34] : memref<288x256xf32, #tpu.memory_space<vmem>> -> memref<96x256xf32, #tpu.memory_space<vmem>>
    %dma_wait3A_36 = arith.constant 0 : i32
    %dma_wait3A_37 = tpu.memref_slice %arg7[%dma_wait3A_36] : memref<288xi32, #tpu.memory_space<vmem>> -> memref<96xi32, #tpu.memory_space<vmem>>
    %dma_wait3A_38 = arith.constant 0 : i32
    %dma_wait3A_39 = arith.constant 0 : i32
    %dma_wait3A_40 = tpu.memref_slice %arg4[%dma_wait3A_38, %dma_wait3A_39] : memref<1024x256xf32, #tpu.memory_space<hbm>> -> memref<1024x256xf32, #tpu.memory_space<hbm>>
    tpu.wait_indirect_dma semaphore(%arg15 : memref<!tpu.dma_semaphore, #tpu.memory_space<semaphore_mem>>) src(%dma_wait3A_40 : memref<1024x256xf32, #tpu.memory_space<hbm>>) dst(%dma_wait3A_35 : memref<96x256xf32, #tpu.memory_space<vmem>>)
    %dma_wait3A_41 = arith.constant 96 : i32
    %dma_wait3A_42 = arith.constant 0 : i32
    %dma_wait3A_43 = tpu.memref_slice %arg10[%dma_wait3A_41, %dma_wait3A_42] : memref<288x256xf32, #tpu.memory_space<vmem>> -> memref<96x256xf32, #tpu.memory_space<vmem>>
    %dma_wait3A_44 = arith.constant 96 : i32
    %dma_wait3A_45 = tpu.memref_slice %arg7[%dma_wait3A_44] : memref<288xi32, #tpu.memory_space<vmem>> -> memref<96xi32, #tpu.memory_space<vmem>>
    %dma_wait3A_46 = arith.constant 0 : i32
    %dma_wait3A_47 = arith.constant 0 : i32
    %dma_wait3A_48 = tpu.memref_slice %arg4[%dma_wait3A_46, %dma_wait3A_47] : memref<1024x256xf32, #tpu.memory_space<hbm>> -> memref<1024x256xf32, #tpu.memory_space<hbm>>
    tpu.wait_indirect_dma semaphore(%arg15 : memref<!tpu.dma_semaphore, #tpu.memory_space<semaphore_mem>>) src(%dma_wait3A_48 : memref<1024x256xf32, #tpu.memory_space<hbm>>) dst(%dma_wait3A_43 : memref<96x256xf32, #tpu.memory_space<vmem>>)
    %dma_wait3A_49 = arith.constant 192 : i32
    %dma_wait3A_50 = arith.constant 0 : i32
    %dma_wait3A_51 = tpu.memref_slice %arg10[%dma_wait3A_49, %dma_wait3A_50] : memref<288x256xf32, #tpu.memory_space<vmem>> -> memref<96x256xf32, #tpu.memory_space<vmem>>
    %dma_wait3A_52 = arith.constant 192 : i32
    %dma_wait3A_53 = tpu.memref_slice %arg7[%dma_wait3A_52] : memref<288xi32, #tpu.memory_space<vmem>> -> memref<96xi32, #tpu.memory_space<vmem>>
    %dma_wait3A_54 = arith.constant 0 : i32
    %dma_wait3A_55 = arith.constant 0 : i32
    %dma_wait3A_56 = tpu.memref_slice %arg4[%dma_wait3A_54, %dma_wait3A_55] : memref<1024x256xf32, #tpu.memory_space<hbm>> -> memref<1024x256xf32, #tpu.memory_space<hbm>>
    tpu.wait_indirect_dma semaphore(%arg15 : memref<!tpu.dma_semaphore, #tpu.memory_space<semaphore_mem>>) src(%dma_wait3A_56 : memref<1024x256xf32, #tpu.memory_space<hbm>>) dst(%dma_wait3A_51 : memref<96x256xf32, #tpu.memory_space<vmem>>)
    %add3A_57 = arith.constant 0 : i32
    %add3A_58 = arith.addi %mul3A_2, %add3A_57 : i32
    %dma_start3A_59 = arith.constant 0 : i32
    %dma_start3A_60 = arith.constant 0 : i32
    %dma_start3A_61 = tpu.memref_slice %arg10[%dma_start3A_59, %dma_start3A_60] : memref<288x256xf32, #tpu.memory_space<vmem>> -> memref<96x256xf32, #tpu.memory_space<vmem>>
    %dma_start3A_62 = arith.constant 0 : i32
    %dma_start3A_63 = tpu.memref_slice %arg5[%add3A_58, %dma_start3A_62] : memref<9216x256xf32, #tpu.memory_space<hbm>> -> memref<96x256xf32, #tpu.memory_space<hbm>>
    %dma_start3A_64 = arith.constant 0 : i32
    %dma_start3A_65 = tpu.memref_slice %arg5[%add3A_58, %dma_start3A_64] : memref<9216x256xf32, #tpu.memory_space<hbm>> -> memref<96x256xf32, #tpu.memory_space<hbm>>
    %dma_start3A_66 = arith.constant 0 : i32
    %dma_start3A_67 = arith.constant 0 : i32
    %dma_start3A_68 = tpu.memref_slice %arg10[%dma_start3A_66, %dma_start3A_67] : memref<288x256xf32, #tpu.memory_space<vmem>> -> memref<96x256xf32, #tpu.memory_space<vmem>>
    tpu.enqueue_dma source(%dma_start3A_68 : memref<96x256xf32, #tpu.memory_space<vmem>>) target(%dma_start3A_65 : memref<96x256xf32, #tpu.memory_space<hbm>>) target_semaphore(%arg16 : memref<!tpu.dma_semaphore, #tpu.memory_space<semaphore_mem>>)
    %add3A_69 = arith.constant 96 : i32
    %add3A_70 = arith.addi %mul3A_2, %add3A_69 : i32
    %dma_start3A_71 = arith.constant 96 : i32
    %dma_start3A_72 = arith.constant 0 : i32
    %dma_start3A_73 = tpu.memref_slice %arg10[%dma_start3A_71, %dma_start3A_72] : memref<288x256xf32, #tpu.memory_space<vmem>> -> memref<96x256xf32, #tpu.memory_space<vmem>>
    %dma_start3A_74 = arith.constant 0 : i32
    %dma_start3A_75 = tpu.memref_slice %arg5[%add3A_70, %dma_start3A_74] : memref<9216x256xf32, #tpu.memory_space<hbm>> -> memref<96x256xf32, #tpu.memory_space<hbm>>
    %dma_start3A_76 = arith.constant 0 : i32
    %dma_start3A_77 = tpu.memref_slice %arg5[%add3A_70, %dma_start3A_76] : memref<9216x256xf32, #tpu.memory_space<hbm>> -> memref<96x256xf32, #tpu.memory_space<hbm>>
    %dma_start3A_78 = arith.constant 96 : i32
    %dma_start3A_79 = arith.constant 0 : i32
    %dma_start3A_80 = tpu.memref_slice %arg10[%dma_start3A_78, %dma_start3A_79] : memref<288x256xf32, #tpu.memory_space<vmem>> -> memref<96x256xf32, #tpu.memory_space<vmem>>
    tpu.enqueue_dma source(%dma_start3A_80 : memref<96x256xf32, #tpu.memory_space<vmem>>) target(%dma_start3A_77 : memref<96x256xf32, #tpu.memory_space<hbm>>) target_semaphore(%arg16 : memref<!tpu.dma_semaphore, #tpu.memory_space<semaphore_mem>>)
    %add3A_81 = arith.constant 192 : i32
    %add3A_82 = arith.addi %mul3A_2, %add3A_81 : i32
    %dma_start3A_83 = arith.constant 192 : i32
    %dma_start3A_84 = arith.constant 0 : i32
    %dma_start3A_85 = tpu.memref_slice %arg10[%dma_start3A_83, %dma_start3A_84] : memref<288x256xf32, #tpu.memory_space<vmem>> -> memref<96x256xf32, #tpu.memory_space<vmem>>
    %dma_start3A_86 = arith.constant 0 : i32
    %dma_start3A_87 = tpu.memref_slice %arg5[%add3A_82, %dma_start3A_86] : memref<9216x256xf32, #tpu.memory_space<hbm>> -> memref<96x256xf32, #tpu.memory_space<hbm>>
    %dma_start3A_88 = arith.constant 0 : i32
    %dma_start3A_89 = tpu.memref_slice %arg5[%add3A_82, %dma_start3A_88] : memref<9216x256xf32, #tpu.memory_space<hbm>> -> memref<96x256xf32, #tpu.memory_space<hbm>>
    %dma_start3A_90 = arith.constant 192 : i32
    %dma_start3A_91 = arith.constant 0 : i32
    %dma_start3A_92 = tpu.memref_slice %arg10[%dma_start3A_90, %dma_start3A_91] : memref<288x256xf32, #tpu.memory_space<vmem>> -> memref<96x256xf32, #tpu.memory_space<vmem>>
    tpu.enqueue_dma source(%dma_start3A_92 : memref<96x256xf32, #tpu.memory_space<vmem>>) target(%dma_start3A_89 : memref<96x256xf32, #tpu.memory_space<hbm>>) target_semaphore(%arg16 : memref<!tpu.dma_semaphore, #tpu.memory_space<semaphore_mem>>)
    %dma_wait3A_93 = arith.constant 0 : i32
    %dma_wait3A_94 = arith.constant 0 : i32
    %dma_wait3A_95 = tpu.memref_slice %arg10[%dma_wait3A_93, %dma_wait3A_94] : memref<288x256xf32, #tpu.memory_space<vmem>> -> memref<96x256xf32, #tpu.memory_space<vmem>>
    %dma_wait3A_96 = arith.constant 0 : i32
    %dma_wait3A_97 = tpu.memref_slice %arg5[%add3A_58, %dma_wait3A_96] : memref<9216x256xf32, #tpu.memory_space<hbm>> -> memref<96x256xf32, #tpu.memory_space<hbm>>
    %dma_wait3A_98 = arith.constant 0 : i32
    %dma_wait3A_99 = tpu.memref_slice %arg5[%add3A_58, %dma_wait3A_98] : memref<9216x256xf32, #tpu.memory_space<hbm>> -> memref<96x256xf32, #tpu.memory_space<hbm>>
    %dma_wait3A_100 = arith.constant 0 : i32
    %dma_wait3A_101 = arith.constant 0 : i32
    %dma_wait3A_102 = tpu.memref_slice %arg10[%dma_wait3A_100, %dma_wait3A_101] : memref<288x256xf32, #tpu.memory_space<vmem>> -> memref<96x256xf32, #tpu.memory_space<vmem>>
    tpu.wait_dma2 semaphore(%arg16 : memref<!tpu.dma_semaphore, #tpu.memory_space<semaphore_mem>>) src(%dma_wait3A_102 : memref<96x256xf32, #tpu.memory_space<vmem>>) dst(%dma_wait3A_99 : memref<96x256xf32, #tpu.memory_space<hbm>>)
    %dma_wait3A_103 = arith.constant 96 : i32
    %dma_wait3A_104 = arith.constant 0 : i32
    %dma_wait3A_105 = tpu.memref_slice %arg10[%dma_wait3A_103, %dma_wait3A_104] : memref<288x256xf32, #tpu.memory_space<vmem>> -> memref<96x256xf32, #tpu.memory_space<vmem>>
    %dma_wait3A_106 = arith.constant 0 : i32
    %dma_wait3A_107 = tpu.memref_slice %arg5[%add3A_70, %dma_wait3A_106] : memref<9216x256xf32, #tpu.memory_space<hbm>> -> memref<96x256xf32, #tpu.memory_space<hbm>>
    %dma_wait3A_108 = arith.constant 0 : i32
    %dma_wait3A_109 = tpu.memref_slice %arg5[%add3A_70, %dma_wait3A_108] : memref<9216x256xf32, #tpu.memory_space<hbm>> -> memref<96x256xf32, #tpu.memory_space<hbm>>
    %dma_wait3A_110 = arith.constant 96 : i32
    %dma_wait3A_111 = arith.constant 0 : i32
    %dma_wait3A_112 = tpu.memref_slice %arg10[%dma_wait3A_110, %dma_wait3A_111] : memref<288x256xf32, #tpu.memory_space<vmem>> -> memref<96x256xf32, #tpu.memory_space<vmem>>
    tpu.wait_dma2 semaphore(%arg16 : memref<!tpu.dma_semaphore, #tpu.memory_space<semaphore_mem>>) src(%dma_wait3A_112 : memref<96x256xf32, #tpu.memory_space<vmem>>) dst(%dma_wait3A_109 : memref<96x256xf32, #tpu.memory_space<hbm>>)
    %dma_wait3A_113 = arith.constant 192 : i32
    %dma_wait3A_114 = arith.constant 0 : i32
    %dma_wait3A_115 = tpu.memref_slice %arg10[%dma_wait3A_113, %dma_wait3A_114] : memref<288x256xf32, #tpu.memory_space<vmem>> -> memref<96x256xf32, #tpu.memory_space<vmem>>
    %dma_wait3A_116 = arith.constant 0 : i32
    %dma_wait3A_117 = tpu.memref_slice %arg5[%add3A_82, %dma_wait3A_116] : memref<9216x256xf32, #tpu.memory_space<hbm>> -> memref<96x256xf32, #tpu.memory_space<hbm>>
    %dma_wait3A_118 = arith.constant 0 : i32
    %dma_wait3A_119 = tpu.memref_slice %arg5[%add3A_82, %dma_wait3A_118] : memref<9216x256xf32, #tpu.memory_space<hbm>> -> memref<96x256xf32, #tpu.memory_space<hbm>>
    %dma_wait3A_120 = arith.constant 192 : i32
    %dma_wait3A_121 = arith.constant 0 : i32
    %dma_wait3A_122 = tpu.memref_slice %arg10[%dma_wait3A_120, %dma_wait3A_121] : memref<288x256xf32, #tpu.memory_space<vmem>> -> memref<96x256xf32, #tpu.memory_space<vmem>>
    tpu.wait_dma2 semaphore(%arg16 : memref<!tpu.dma_semaphore, #tpu.memory_space<semaphore_mem>>) src(%dma_wait3A_122 : memref<96x256xf32, #tpu.memory_space<vmem>>) dst(%dma_wait3A_119 : memref<96x256xf32, #tpu.memory_space<hbm>>)
    return
  }
}

module attributes {stable_mosaic.version = 14 : i64} {
  func.func @_dist_argmax_body(%arg0: i32, %arg1: memref<3072x256xf32, #tpu.memory_space<vmem>>, %arg2: memref<1024x256xf32, #tpu.memory_space<vmem>>, %arg3: memref<3072xi32, #tpu.memory_space<vmem>>, %arg4: memref<1x1xf32, #tpu.memory_space<smem>>, %arg5: memref<1024x1xf32, #tpu.memory_space<vmem>>, %arg6: memref<1024x256xf32, #tpu.memory_space<vmem>>) attributes {dimension_semantics = [#tpu.dimension_semantics<arbitrary>], iteration_bounds = array<i64: 3>, scalar_prefetch = 0 : i64, scratch_operands = 2 : i64, tpu.core_type = #tpu.core_type<tc>, window_params = [{transform_indices = @transform_0, window_bounds = array<i64: 3072, 256>}, {pipeline_mode = #tpu.pipeline_mode<synchronous>, transform_indices = @transform_1, window_bounds = array<i64: 1024, 256>}, {transform_indices = @transform_2, window_bounds = array<i64: 3072>}, {transform_indices = @transform_3, window_bounds = array<i64: 1, 1>}]} {
    %get3A = arith.constant 0 : index
    %get3A_0 = arith.constant 0 : index
    %get3A_1 = vector.load %arg1[%get3A, %get3A_0] : memref<3072x256xf32, #tpu.memory_space<vmem>>, vector<3072x256xf32>
    %eq3A = arith.constant 0 : i32
    %eq3A_2 = arith.cmpi eq, %arg0, %eq3A : i32
    %convert_element_type3A = arith.extui %eq3A_2 : i1 to i32
    %cond3A = arith.constant 0 : i32
    %cond3A_3 = arith.cmpi ne, %convert_element_type3A, %cond3A : i32
    scf.if %cond3A_3 {
      %get3A_39 = arith.constant 0 : index
      %get3A_40 = arith.constant 0 : index
      %get3A_41 = vector.load %arg2[%get3A_39, %get3A_40] : memref<1024x256xf32, #tpu.memory_space<vmem>>, vector<1024x256xf32>
      %mul3A_42 = arith.mulf %get3A_41, %get3A_41 : vector<1024x256xf32>
      %reduce_sum3A_43 = arith.constant dense<0.000000e+00> : vector<1024xf32>
      %reduce_sum3A_44 = vector.multi_reduction <add>, %mul3A_42, %reduce_sum3A_43 [1] : vector<1024x256xf32> to vector<1024xf32>
      %reshape3A = vector.shape_cast %reduce_sum3A_44 : vector<1024xf32> to vector<1024x1xf32>
      %swap3A_45 = arith.constant 0 : index
      %swap3A_46 = arith.constant 0 : index
      %swap3A_47 = vector.load %arg5[%swap3A_45, %swap3A_46] : memref<1024x1xf32, #tpu.memory_space<vmem>>, vector<1024x1xf32>
      tpu.vector_store %arg5[%swap3A_45, %swap3A_46], %reshape3A {strides = array<i32>} : memref<1024x1xf32, #tpu.memory_space<vmem>>, vector<1024x1xf32>,
      %add3A_48 = arith.addf %get3A_41, %get3A_41 : vector<1024x256xf32>
      %swap3A_49 = arith.constant 0 : index
      %swap3A_50 = arith.constant 0 : index
      %swap3A_51 = vector.load %arg6[%swap3A_49, %swap3A_50] : memref<1024x256xf32, #tpu.memory_space<vmem>>, vector<1024x256xf32>
      tpu.vector_store %arg6[%swap3A_49, %swap3A_50], %add3A_48 {strides = array<i32>} : memref<1024x256xf32, #tpu.memory_space<vmem>>, vector<1024x256xf32>,
      %swap3A_52 = arith.constant 0.000000e+00 : f32
      %swap3A_53 = arith.constant 0 : index
      %swap3A_54 = arith.constant 0 : index
      %swap3A_55 = memref.load %arg4[%swap3A_53, %swap3A_54] : memref<1x1xf32, #tpu.memory_space<smem>>
      memref.store %swap3A_52, %arg4[%swap3A_53, %swap3A_54] : memref<1x1xf32, #tpu.memory_space<smem>>
    } else {
    }
    %get3A_4 = arith.constant 0 : index
    %get3A_5 = arith.constant 0 : index
    %get3A_6 = vector.load %arg6[%get3A_4, %get3A_5] : memref<1024x256xf32, #tpu.memory_space<vmem>>, vector<1024x256xf32>
    %dot_general3A = arith.constant dense<0.000000e+00> : vector<1024x3072xf32>
    %dot_general3A_7 = tpu.matmul %get3A_6, %get3A_1, %dot_general3A {dimension_numbers = #tpu.dot_dimension_numbers<[1], [1], [0], [0], [0, 0, 1, 0], [], []>, transpose_lhs_hint = false} : vector<1024x256xf32>, vector<3072x256xf32>, vector<1024x3072xf32> -> vector<1024x3072xf32>
    %get3A_8 = arith.constant 0 : index
    %get3A_9 = arith.constant 0 : index
    %get3A_10 = vector.load %arg5[%get3A_8, %get3A_9] : memref<1024x1xf32, #tpu.memory_space<vmem>>, vector<1024x1xf32>
    %sub3A = vector.broadcast %get3A_10 : vector<1024x1xf32> to vector<1024x3072xf32>
    %sub3A_11 = arith.subf %dot_general3A_7, %sub3A : vector<1024x3072xf32>
    %reduce_max3A = arith.constant dense<0xFF800000> : vector<3072xf32>
    %reduce_max3A_12 = vector.multi_reduction <maximumf>, %sub3A_11, %reduce_max3A [0] : vector<1024x3072xf32> to vector<3072xf32>
    %iota3A = tpu.iota {dimensions = array<i32: 0>} : vector<1024x3072xi32>
    %broadcast_in_dim3A = vector.shape_cast %reduce_max3A_12 : vector<3072xf32> to vector<1x3072xf32>
    %eq3A_13 = vector.broadcast %broadcast_in_dim3A : vector<1x3072xf32> to vector<1024x3072xf32>
    %eq3A_14 = arith.cmpf oeq, %sub3A_11, %eq3A_13 : vector<1024x3072xf32>
    %jit3A = arith.constant 1024 : i32
    %broadcast_in_dim3A_15 = vector.broadcast %jit3A : i32 to vector<1024x3072xi32>
    %select_n3A = arith.select %eq3A_14, %iota3A, %broadcast_in_dim3A_15 : vector<1024x3072xi1>, vector<1024x3072xi32>
    %reduce_min3A = arith.constant dense<2147483647> : vector<3072xi32>
    %reduce_min3A_16 = vector.multi_reduction <minsi>, %select_n3A, %reduce_min3A [0] : vector<1024x3072xi32> to vector<3072xi32>
    %swap3A = arith.constant 0 : index
    %swap3A_17 = vector.load %arg3[%swap3A] : memref<3072xi32, #tpu.memory_space<vmem>>, vector<3072xi32>
    tpu.vector_store %arg3[%swap3A], %reduce_min3A_16 {strides = array<i32>} : memref<3072xi32, #tpu.memory_space<vmem>>, vector<3072xi32>,
    %get3A_18 = arith.constant 0 : index
    %get3A_19 = arith.constant 0 : index
    %get3A_20 = memref.load %arg4[%get3A_18, %get3A_19] : memref<1x1xf32, #tpu.memory_space<smem>>
    %mul3A = arith.mulf %get3A_1, %get3A_1 : vector<3072x256xf32>
    %reduce_sum3A = vector.shape_cast %mul3A : vector<3072x256xf32> to vector<1x3072x256xf32>
    %reduce_sum3A_21 = arith.constant dense<0.000000e+00> : vector<1xf32>
    %reduce_sum3A_22 = vector.multi_reduction <add>, %reduce_sum3A, %reduce_sum3A_21 [1, 2] : vector<1x3072x256xf32> to vector<1xf32>
    %reduce_sum3A_23 = vector.shape_cast %reduce_sum3A_22 : vector<1xf32> to vector<1x1x1xf32>
    %reduce_sum3A_24 = vector.extract %reduce_sum3A_23[0, 0, 0] : f32 from vector<1x1x1xf32>
    %reduce_sum3A_25 = vector.shape_cast %reduce_max3A_12 : vector<3072xf32> to vector<1x3072xf32>
    %reduce_sum3A_26 = arith.constant dense<0.000000e+00> : vector<1xf32>
    %reduce_sum3A_27 = vector.multi_reduction <add>, %reduce_sum3A_25, %reduce_sum3A_26 [1] : vector<1x3072xf32> to vector<1xf32>
    %reduce_sum3A_28 = vector.shape_cast %reduce_sum3A_27 : vector<1xf32> to vector<1x1xf32>
    %reduce_sum3A_29 = vector.extract %reduce_sum3A_28[0, 0] : f32 from vector<1x1xf32>
    %sub3A_30 = arith.subf %reduce_sum3A_24, %reduce_sum3A_29 : f32
    %add3A = arith.addf %get3A_20, %sub3A_30 : f32
    %swap3A_31 = arith.constant 0 : index
    %swap3A_32 = arith.constant 0 : index
    %swap3A_33 = memref.load %arg4[%swap3A_31, %swap3A_32] : memref<1x1xf32, #tpu.memory_space<smem>>
    memref.store %add3A, %arg4[%swap3A_31, %swap3A_32] : memref<1x1xf32, #tpu.memory_space<smem>>
    %eq3A_34 = arith.constant 2 : i32
    %eq3A_35 = arith.cmpi eq, %arg0, %eq3A_34 : i32
    %convert_element_type3A_36 = arith.extui %eq3A_35 : i1 to i32
    %cond3A_37 = arith.constant 0 : i32
    %cond3A_38 = arith.cmpi ne, %convert_element_type3A_36, %cond3A_37 : i32
    scf.if %cond3A_38 {
      %get3A_39 = arith.constant 0 : index
      %get3A_40 = arith.constant 0 : index
      %get3A_41 = memref.load %arg4[%get3A_39, %get3A_40] : memref<1x1xf32, #tpu.memory_space<smem>>
      %mul3A_42 = arith.constant 4.23855255E-7 : f32
      %mul3A_43 = arith.mulf %get3A_41, %mul3A_42 : f32
      %swap3A_44 = arith.constant 0 : index
      %swap3A_45 = arith.constant 0 : index
      %swap3A_46 = memref.load %arg4[%swap3A_44, %swap3A_45] : memref<1x1xf32, #tpu.memory_space<smem>>
      memref.store %mul3A_43, %arg4[%swap3A_44, %swap3A_45] : memref<1x1xf32, #tpu.memory_space<smem>>
    } else {
    }
    return
  }
  func.func @transform_0(%arg0: i32) -> (i32, i32) {
    %c0_i32 = arith.constant 0 : i32
    %c0_i32_0 = arith.constant 0 : i32
    return %arg0, %c0_i32 : i32, i32
  }
  func.func @transform_1(%arg0: i32) -> (i32, i32) {
    %c0_i32 = arith.constant 0 : i32
    %c0_i32_0 = arith.constant 0 : i32
    %c0_i32_1 = arith.constant 0 : i32
    return %c0_i32, %c0_i32_0 : i32, i32
  }
  func.func @transform_2(%arg0: i32) -> i32 {
    %c0_i32 = arith.constant 0 : i32
    return %arg0 : i32
  }
  func.func @transform_3(%arg0: i32) -> (i32, i32) {
    %c0_i32 = arith.constant 0 : i32
    %c0_i32_0 = arith.constant 0 : i32
    %c0_i32_1 = arith.constant 0 : i32
    return %c0_i32, %c0_i32_0 : i32, i32
  }
}

</mosaic_0001>

<sc_bundles>
// kernel: kernel.4.cloned.1.call-start
scs
__scs_entry_jumppad:
0x0: {  	(pc) =	sbr.rel $0x88, $3  }
0x1: {  	(tag) =	ssettag $0x0;
	lr =	simm.s32 $0x1  }
0x2: {  	[smem:$0x3F9E] =	sst lr;
	_ =	strace $0xD0000000  }
0x3: {  	_ = 	snop  }
0x4: {  	_ = 	snop  }
0x5: {  	_ = 	snop  }
0x6: {  	_ = 	snop  }
0x7: {  	_ = 	snop  }
__scs_overlays_trampoline_lowered:
0x8: {  	[smem:$0x3FAD] =	sst s0  }
0x9: {  	[smem:$0x3FAE] =	sst s1  }
0xa: {  	[smem:$0x3FAF] =	sst s2  }
0xb: {  	[smem:$0x3FB0] =	sst s3  }
0xc: {  	[smem:$0x3FB1] =	sst s4  }
0xd: {  	[smem:$0x3FB2] =	sst s5  }
0xe: {  	[smem:$0x3FB3] =	sst s6  }
0xf: {  	[smem:$0x3FB4] =	sst s7  }
0x10: {  	[smem:$0x3FB5] =	sst s8  }
0x11: {  	[smem:$0x3FB6] =	sst s9;
	s0 =	simm.s32 @!p0 $0x0  }
0x12: {  	s1 =	sld [smem:$0x3F9C];
	s0 =	simm.s32 @p0 $0x1  }
0x13: {  	[smem:$0x3FB7] =	sst s0;
	s0 =	simm.s32 @!p1 $0x0  }
0x14: {  	s2 =	sld [smem:$0x3F9B];
	s0 =	simm.s32 @p1 $0x1  }
0x15: {  	[smem:$0x3FB8] =	sst s0;
	s0 =	simm.s32 @!p2 $0x0  }
0x16: {  	s3 =	sld [smem:$0x3FDB];
	s0 =	simm.s32 @p2 $0x1  }
0x17: {  	s4 =	simm.s32 $0x1BF5;
	[smem:$0x3FBA] =	sst s0  }
0x18: {  	s0 =	sld [smem:$0x3F9D];
	_ =	swait.ge [sflag:s4], $0x0  }
0x19: {  	s7 =	sld [smem:$0x3F9E]  }
0x1a: {  	s8 =	sadd.s32 $0xFFFFE003, lr  }
0x1b: {  	s9 =	sadd.s32 $0xFFFFFEF7, lr;
	s5 =	simm.s32 $0xFFFFFFFF;
	p2 =	slt.u32 s8, $0xFFFFF086  }
0x1c: {  	p1 =	slt.u32 s9, $0xF7A;
	s5 =	simm.s32 @!p2 $0x0  }
0x1d: {  	s5 =	simm.s32 @p1 $0x1;
	p0 =	seq.s32 s7, s2  }
0x1e: {  	s7 =	smul.u32 @!p0 $0xF7A, s2;
	p2 =	seq.s32 @!p0 s5, $0x0  }
0x1f: {  	s9 =	smul.u32 $0xF7A, s1;
	s8 =	simm.s32 @!p0 $0x1BF5;
	p2 =	por !p2, p0  }
0x20: {  	[sflag:s8] =	ssyncset.s32 @!p0 $0xFFFFF086;
	s6 =	sadd.s32 @!p0 s3, s7;
	s7 =	simm.s32 @!p0 $0x108  }
0x21: {  	s3 =	sadd.s32 s3, s9;
	s6 =	sadd.s32 @!p0 $0x88, s6;
	s7 =	simm.s32 @p2 $0x1082  }
0x22: {  	[simem:s7], [sflag:s8] =	dma.local @!p0 [hbm:s6], $0xF7A  }
0x23: {  	s9 =	sor.u32 $0xD0000000, s2;
	s6 =	simm.s32 $0x108;
	_ =	swait.ge @!p0 [sflag:s8], $0x0  }
0x24: {  	s3 =	sadd.s32 $0x88, s3;
	s6 =	simm.s32 @!p1 $0x1082;
	[sflag:s4] =	ssyncset.s32 $0xFFFFF086  }
0x25: {  	[simem:s6], [sflag:s4] =	dma.local [hbm:s3], $0xF7A  }
0x26: {  	[smem:$0x3F9E] =	sst s1;
	(tag) =	ssettag s2;
	_ =	strace s9  }
0x27: {  	s1 =	sld [smem:$0x3FAE]  }
0x28: {  	s2 =	sld [smem:$0x3FAF]  }
0x29: {  	s4 =	sld [smem:$0x3FB1]  }
0x2a: {  	p0 =	seq.s32 s5, $0x0;
	s5 =	sld [smem:$0x3FB2]  }
0x2b: {  	s6 =	sld [smem:$0x3FB3]  }
0x2c: {  	s7 =	sld [smem:$0x3FB4]  }
0x2d: {  	s3 =	simm.s32 $0x108;
	s8 =	sld [smem:$0x3FB5]  }
0x2e: {  	s3 =	simm.s32 @!p0 $0x1082;
	s9 =	sld [smem:$0x3FB6]  }
0x2f: {  	lr =	sadd.s32 s0, s3;
	s0 =	sld [smem:$0x3FAD]  }
0x30: {  	s3 =	sld [smem:$0x3FB0]  }
0x31: {  	[smem:$0x3FB9] =	sst s10  }
0x32: {  	s10 =	sld [smem:$0x3FB7];
	_ =	sdelay $0x3  }
0x33: {  	p0 =	seq.s32 s10, $0x1;
	s10 =	sld [smem:$0x3FB9];
	_ =	sdelay $0x3  }
0x34: {  	[smem:$0x3FB9] =	sst s10  }
0x35: {  	s10 =	sld [smem:$0x3FB8];
	_ =	sdelay $0x3  }
0x36: {  	p1 =	seq.s32 s10, $0x1;
	s10 =	sld [smem:$0x3FB9];
	_ =	sdelay $0x3  }
0x37: {  	[smem:$0x3FB9] =	sst s10  }
0x38: {  	s10 =	sld [smem:$0x3FBA]  }
0x39: {  	_ = 	snop;
	(pc) =	sbr.ind lr, $3  }
0x3a: {  	_ = 	snop  }
0x3b: {  	_ = 	snop  }
0x3c: {  	p2 =	seq.s32 s10, $0x1;
	s10 =	sld [smem:$0x3FB9]  }
0x3d: {  	_ =	shalt  }
0x3e: {  	_ =	shalt  }
0x3f: {  	_ =	shalt  }
0x40: {  	_ =	shalt  }
0x41: {  	_ =	shalt  }
0x42: {  	_ =	shalt  }
0x43: {  	_ =	shalt  }
0x44: {  	_ =	shalt  }
0x45: {  	_ =	shalt  }
0x46: {  	_ =	shalt  }
0x47: {  	_ =	shalt  }
0x48: {  	_ =	shalt  }
0x49: {  	_ =	shalt  }
0x4a: {  	_ =	shalt  }
0x4b: {  	_ =	shalt  }
0x4c: {  	_ =	shalt  }
0x4d: {  	_ =	shalt  }
0x4e: {  	_ =	shalt  }
0x4f: {  	_ =	shalt  }
0x50: {  	_ =	shalt  }
0x51: {  	_ =	shalt  }
0x52: {  	_ =	shalt  }
0x53: {  	_ =	shalt  }
0x54: {  	_ =	shalt  }
0x55: {  	_ =	shalt  }
0x56: {  	_ =	shalt  }
0x57: {  	_ =	shalt  }
0x58: {  	_ =	shalt  }
0x59: {  	_ =	shalt  }
0x5a: {  	_ =	shalt  }
0x5b: {  	_ =	shalt  }
0x5c: {  	_ =	shalt  }
0x5d: {  	_ =	shalt  }
0x5e: {  	_ =	shalt  }
0x5f: {  	_ =	shalt  }
0x60: {  	_ =	shalt  }
0x61: {  	_ =	shalt  }
0x62: {  	_ =	shalt  }
0x63: {  	_ =	shalt  }
0x64: {  	_ =	shalt  }
0x65: {  	_ =	shalt  }
0x66: {  	_ =	shalt  }
0x67: {  	_ =	shalt  }
0x68: {  	_ =	shalt  }
0x69: {  	_ =	shalt  }
0x6a: {  	_ =	shalt  }
0x6b: {  	_ =	shalt  }
0x6c: {  	_ =	shalt  }
0x6d: {  	_ =	shalt  }
0x6e: {  	_ =	shalt  }
0x6f: {  	_ =	shalt  }
0x70: {  	_ =	shalt  }
0x71: {  	_ =	shalt  }
0x72: {  	_ =	shalt  }
0x73: {  	_ =	shalt  }
0x74: {  	_ =	shalt  }
0x75: {  	_ =	shalt  }
0x76: {  	_ =	shalt  }
0x77: {  	_ =	shalt  }
0x78: {  	_ =	shalt  }
0x79: {  	_ =	shalt  }
0x7a: {  	_ =	shalt  }
0x7b: {  	_ =	shalt  }
0x7c: {  	_ =	shalt  }
0x7d: {  	_ =	shalt  }
0x7e: {  	_ =	shalt  }
0x7f: {  	_ =	shalt  }
0x80: {  	_ =	shalt  }
0x81: {  	_ =	shalt  }
0x82: {  	_ =	shalt  }
0x83: {  	_ =	shalt  }
0x84: {  	_ =	shalt  }
0x85: {  	_ =	shalt  }
0x86: {  	_ =	shalt  }
0x87: {  	_ =	shalt  }
.Lfunc_end0:
.L_simem_size_0:
called_computation_lowered:
.L_overlay_start_0:
0x88: {  	s2 =	sld [smem:$0x3FD9]  }
0x89: {  	s3 =	sld [smem:$0x3FFE];
	_ =	sdelay $0x1  }
0x8a: {  	s1 =	srdreg.scid  }
0x8b: {  	s0 =	sand.u32 $0x1, s1  }
0x8c: {  	s14 =	sshll.u32 s0, $0xA;
	s2 =	sadd.s32 s3, s2  }
0x8d: {  	s2 =	sadd.s32 s2, s14  }
0x8e: {  	[smem:$0x3FC5] =	sst s2  }
0x8f: {  	_ = 	snop  }
0x90: {  	s2 =	sld [smem:$0x3FD0];
	_ =	sdelay $0x2  }
0x91: {  	s4 =	simm.s32 $0xA;
	s5 =	simm.s32 $0x10;
	s15 =	sld [smem:$0x3FC7]  }
0x92: {  	[smem:s5], [sflag:s4] =	dma.local [hbm:s2], $0x1  }
0x93: {  	_ =	swait.eq [sflag:s4], $0x1  }
0x94: {  	[sflag:s4] =	ssyncset.done $0x0  }
0x95: {  	s16 =	sld [smem:$0x10];
	[sflag:s4] =	ssyncadd.s32 $0xFFFFFFFF  }
0x96: {  	s17 =	sld [smem:$0x13];
	(tm) =	ssettm $0x1  }
0x97: {  	s18 =	sld [smem:$0x3FFB];
	_ =	sdelay $0x3  }
0x98: {  	_ =	strace s18  }
0x99: {  	s5 =	sld [smem:$0x3FFC];
	_ =	sdelay $0x3  }
0x9a: {  	_ =	strace s5  }
0x9b: {  	s5 =	sld [smem:$0x3FFD];
	_ =	sdelay $0x3  }
0x9c: {  	_ =	strace s5  }
0x9d: {  	_ =	strace $0x8FFFFFFF  }
0x9e: {  	s19 =	sld [smem:$0x3FDB];
	_ =	sdelay $0x1  }
0x9f: {  	s6 =	simm.s32 $_scs_section_size  }
0xa0: {  	s7 =	simm.s32 $_size__tile_overlayer_lowered;
	s8 =	simm.s32 $_tile_overlayer_lowered  }
0xa1: {  	s22 =	simm.s32 $0x1BFF;
	s21 =	sshll.u32 s8, $0x1;
	s5 =	sadd.s32 s6, s19  }
0xa2: {  	s9 =	simm.s32 $0x0;
	s20 =	sshll.u32 s7, $0x1;
	s7 =	sadd.s32 s21, s5  }
0xa3: {  	[timem:s9], [sflag:s22] =	dma.local [hbm:s7], s20  }
0xa4: {  	_ =	swait.ge [sflag:s22], s20  }
0xa5: {  	s6 =	ssub.s32 $0x0, s20;
	[sflag:s22] =	ssyncset.done $0x0  }
0xa6: {  	[sflag:s22] =	ssyncadd.s32 s6;
	_ =	sdelay $0x1  }
0xa7: {  	s23 =	simm.s32 $0x1B8B  }
0xa8: {  	_ =	swait.ge [sflag:s23], $0x1  }
0xa9: {  	[sflag:s23] =	ssyncset.done $0x0  }
0xaa: {  	s25 =	simm.s32 $0x1B8E;
	s24 =	sld [smem:$0x3FFE];
	[sflag:s23] =	ssyncadd.s32 $0xFFFFFFFF  }
0xab: {  	s26 =	simm.s32 $execute0_lowered;
	[smem:$0x3FD2] =	sst s25  }
0xac: {  	s7 =	sshll.u32 s26, $0x1;
	_ =	strace $0x80000046;
	[dreg:$0x1] =	wrdreg $0xFFFFFFFF  }
0xad: {  	s28 =	simm.s32 $_size_execute0_lowered;
	s5 =	sadd.s32 s5, s7;
	[dreg:$0x0] =	wrdreg $0x0  }
0xae: {  	s7 =	sshll.u32 s28, $0x1;
	[dreg:$0x2] =	wrdreg s5  }
0xaf: {  	[dreg:$0x3] =	wrdreg s7  }
0xb0: {  	[dreg:$0x4] =	wrdreg $0xC0  }
0xb1: {  	_ =	task [dreg:s9], $0x5FFFF  }
0xb2: {  	[dreg:$0x1] =	wrdreg $0xFFFFFFFF  }
0xb3: {  	[dreg:$0x0] =	wrdreg $0x60  }
0xb4: {  	[dreg:$0x2] =	wrdreg s24  }
0xb5: {  	[dreg:$0x3] =	wrdreg s15  }
0xb6: {  	[dreg:$0x4] =	wrdreg s16  }
0xb7: {  	[dreg:$0x5] =	wrdreg s17  }
0xb8: {  	[dreg:$0x6] =	wrdreg $0x133000  }
0xb9: {  	[dreg:$0x7] =	wrdreg $0x9  }
0xba: {  	_ =	task.clear_ibuf [dreg:s9], $0x8FFFF;
	_ =	strace $0x90000046  }
0xbb: {  	s29 =	simm.s32 $0x9;
	_ =	strace $0x80000048  }
0xbc: {  	_ =	swait.ge [sflag:s29], $0x1  }
0xbd: {  	[sflag:s29] =	ssyncadd.s32 $0xFFFFFFFF  }
0xbe: {  	_ =	strace $0x90000048  }
0xbf: {  	_ =	sfence  }
0xc0: {  	s30 =	sld [smem:$0x0];
	_ =	sdelay $0x2  }
0xc1: {  	s31 =	sshll.u32 s1, $0xD;
	s1 =	sshrl.u32 s1, $0x2  }
0xc2: {  	s3 =	sand.u32 $0x4000, s31;
	s1 =	sadd.s32 s1, s30  }
0xc3: {  	s0 =	sor.u32 s3, s0;
	s1 =	sshll.u32 s1, $0x11  }
0xc4: {  	s0 =	sor.u32 s1, s0  }
0xc5: {  	s0 =	sadd.s32 $0x8F2B, s0  }
0xc6: {  	[sflag:s0] =	ssyncadd.remote.s32 $0x1  }
0xc7: {  	_ =	sfence.sel $0xFFFF  }
0xc8: {  	[dreg:$0x0] =	wrdreg $0xFFFFFFFF;
	(pc) =	sbr.abs _section_cstart, $3  }
0xc9: {  	[dreg:$0x1] =	wrdreg $0xFFFFFFFF  }
0xca: {  	_ =	task.clear_ibuf [dreg:s9], $0x2FFFF;
	_ =	strace $0x9FFFFFFF  }
0xcb: {  	(tm) =	ssettm $0x7FFFFFFF  }
tec
execute0_lowered:
.L_overlay_start_1:
0x0: {  	(tag) =	ssettag $0x1  }
0x1: {  	s0 =	rddreg [dreg:$0x0]  }
0x2: {  	s1 =	rddreg [dreg:$0x1]  }
0x3: {  	s2 =	rddreg [dreg:$0x2]  }
0x4: {  	s5 =	rddreg [dreg:$0x3]  }
0x5: {  	s6 =	rddreg [dreg:$0x4]  }
0x6: {  	s3 =	simm.s32 $0x0;
	s16 =	stileid.u32;
	s4 =	srdreg.scid  }
0x7: {  	s14 =	simm.s32 $0x3;
	s15 =	simm.s32 $0x680;
	s28 =	simm.s32 $0x6680  }
0x8: {  	s29 =	simm.s32 $0x11680;
	s30 =	simm.s32 $0x11E80;
	s31 =	simm.s32 $0x400  }
0x9: {  	[smem:$0x7FF] =	sst s3;
	s7 =	sand.u32 $0x1, s4;
	s17 =	sshll.u32 s16, $0x1  }
0xa: {  	s8 =	smul.u32 $0x48, s16;
	s12 =	sadd.s32 $0x1600, s0;
	s19 =	sshll.u32 s16, $0xA  }
0xb: {  	s21 =	sshll.u32 s16, $0x7;
	s25 =	sshll.u32 s16, $0x4;
	p1 =	sgt.u32 s16, $0x7  }
0xc: {  	s16 =	simm.s32 $0x5E80;
	s9 =	ssub.s32 $0x2, s7;
	s10 =	sor.u32 s7, s17  }
0xd: {  	_ =	strace $0x80000047;
	s20 =	sand.u32 $0x2000, s19;
	s22 =	sand.u32 $0x380, s21  }
0xe: {  	s5 =	sadd.s32 s5, s25;
	p0 =	seq.s32 s7, $0x0;
	s17 =	simm.s32 $0xB680  }
0xf: {  	s21 =	simm.s32 $0xDE80;
	s7 =	simm.s32 $0xE680;
	s25 =	simm.s32 $0x10680  }
0x10: {  	s18 =	sshrl.u32 s9, $0x1;
	s11 =	smul.u32 $0x24, s10;
	s0 =	sadd.s32 s8, s0  }
0x11: {  	s8 =	sadd.s32 s12, s8;
	s13 =	smul.u32 $0x12000, s10;
	[dreg:$0xa] =	wrdreg s5  }
0x12: {  	s23 =	smul.u32 $0x2400, s10;
	s9 =	ssub.s32 s9, s18;
	[dreg:$0x6] =	wrdreg s8  }
0x13: {  	s0 =	sadd.s32 $0x1000, s0;
	s18 =	simm.s32 $0xBE80;
	s8 =	simm.s32 $0x2  }
0x14: {  	s4 =	sadd.s32 s12, s11;
	[dreg:$0x7] =	wrdreg s0;
	s11 =	sadd.s32 s20, s6  }
0x15: {  	s24 =	sshrl.u32 s13, $0x3;
	s6 =	sadd.s32 s19, s6;
	s10 =	sadd.s32 s2, s23  }
0x16: {  	s13 =	smax.u32 s9, $0x1;
	s19 =	simm.s32 $0xCE80;
	s20 =	simm.s32 $0xD680  }
.Ltmp0:
0x17: {  	s23 =	simm.s32 $0xF680;
	s9 =	simm.s32 $0x0;
	(pc) =	sbr.rel .LBB2_1-.Ltmp0, $4  }
0x18: {  	s0 =	sadd.s32 s22, s11;
	[dreg:$0x9] =	wrdreg s6;
	s26 =	sadd.s32 s2, s24  }
0x19: {  	v2 =	vlaneseq.u32;
	s6 =	simm.s32 $0xC680;
	s22 =	simm.s32 $0xEE80;
	s24 =	simm.s32 $0xFE80  }
0x1a: {  	vm0 =	vmmov $0xffff;
	v3 =	vimm.f32 $0.0e+00;
	v1 =	vshrl.u32 v2, $0x3;
	s2 =	simm.s32 $0x1;
	[dreg:$0x8] =	wrdreg s0;
	s11 =	sadd.s32 $0xC00, s26  }
0x1b: {  	v0 =	vand.u32 $0x7, v2;
	v2 =	vor.u32 $0x8, v2;
	v1 =	vmul.u32 $0x8, v1;
	s12 =	sadd.s32 $0x1800, s26;
	s26 =	simm.s32 $0x10E80;
	s0 =	simm.s32 $0x12680  }
.LBB2_2:
0x1c: {  	[bflag:$0x0] =	sbarrier.arrive $0xFFFF  }
.LBB2_9:
0x1d: {  	_ =	swait.ge [sflag:s2], $0x6000  }
0x1e: {  	[sflag:s2] =	ssyncset.done $0x0  }
0x1f: {  	[sflag:s2] =	ssyncadd.s32 $0xFFFFA000  }
0x20: {  	_ =	swait.ge [sflag:s2], $0x6000  }
0x21: {  	[sflag:s2] =	ssyncset.done $0x0  }
0x22: {  	[sflag:s2] =	ssyncadd.s32 $0xFFFFA000  }
0x23: {  	_ =	swait.ge [sflag:s2], $0x6000  }
0x24: {  	[sflag:s2] =	ssyncset.done $0x0  }
0x25: {  	[sflag:s2] =	ssyncadd.s32 $0xFFFFA000  }
0x26: {  	[hbm4b:s10+s3] =	stream.linear.scatter [tilespmem:s15], [sflag:$0x2], $0x6000, $0x38;
	[tilespmem:$0x13700] =	vst v63  }
0x27: {  	_ = 	snop  }
0x28: {  	[hbm4b:s11+s3] =	stream.linear.scatter [tilespmem:s28], [sflag:$0x2], $0x6000, $0x38;
	[tilespmem:$0x13700] =	vst v63  }
0x29: {  	_ = 	snop  }
0x2a: {  	[hbm4b:s12+s3] =	stream.linear.scatter [tilespmem:s6], [sflag:$0x2], $0x6000, $0x38;
	[tilespmem:$0x13700] =	vst v63  }
0x2b: {  	_ =	swait.ge [sflag:s8], $0x6000  }
0x2c: {  	[sflag:s8] =	ssyncset.done $0x0  }
0x2d: {  	s9 =	sadd.s32 $0x1, s9;
	[sflag:s8] =	ssyncadd.s32 $0xFFFFA000  }
0x2e: {  	p2 =	sne.s32 s9, s13;
	_ =	swait.ge [sflag:s8], $0x6000  }
.Ltmp1:
0x2f: {  	[sflag:s8] =	ssyncset.done $0x0;
	(pc) =	sbr.rel @!p2 .LBB2_10-.Ltmp1, $4  }
0x30: {  	[sflag:s8] =	ssyncadd.s32 $0xFFFFA000  }
0x31: {  	_ =	swait.ge [sflag:s8], $0x6000  }
0x32: {  	[sflag:s8] =	ssyncset.done $0x0  }
0x33: {  	[sflag:s8] =	ssyncadd.s32 $0xFFFFA000  }
.LBB2_1:
0x34: {  	[tilespmem:s3], [sflag:$0x3] =	stream.linear.gather [hbm4b:s4+s3], $0x120, $0x38;
	[tilespmem:$0x13700] =	vst v63  }
0x35: {  	_ =	swait.ge [sflag:s14], $0x120  }
0x36: {  	[sflag:s14] =	ssyncset.done $0x0  }
0x37: {  	[sflag:s14] =	ssyncadd.s32 $0xFFFFFEE0  }
0x38: {  	v4 =	vld [tilespmem:$0x0];
	_ =	sdelay $0x4  }
0x39: {  	v5 =	vshll.u32 v4, $0x1  }
0x3a: {  	v4 =	vand.u32 $0x7, v4;
	v5 =	vand.u32 $0xFFFFFFF0, v5  }
0x3b: {  	v4 =	vor.u32 v4, v5  }
0x3c: {  	v5 =	vperm.xlane v4, v0;
	_ =	sdelay $0x1  }
0x3d: {  	v4 =	vperm.xlane v4, v2;
	v5 =	vadd.s32 v1, v5;
	_ =	sdelay $0x1  }
0x3e: {  	v4 =	vadd.s32 v1, v4;
	_ =	sdelay $0x2  }
0x3f: {  	[tilespmem:s15], [sflag:$0x1] =	stream.indirect_vreg.gather [hbm4b:s1+s3], $0x80, v5, vm0, $0xb8;
	[tilespmem:$0x13700] =	vst v63  }
0x40: {  	s5 =	simm.s32 $0xE80  }
0x41: {  	[tilespmem:s5], [sflag:$0x1] =	stream.indirect_vreg.gather [hbm4b:s1+s3], $0x80, v4, vm0, $0xb8;
	[tilespmem:$0x13700] =	vst v63  }
0x42: {  	v4 =	vld [tilespmem:$0x10];
	_ =	sdelay $0x4  }
0x43: {  	v5 =	vshll.u32 v4, $0x1  }
0x44: {  	v4 =	vand.u32 $0x7, v4;
	v5 =	vand.u32 $0xFFFFFFF0, v5  }
0x45: {  	v4 =	vor.u32 v4, v5  }
0x46: {  	v5 =	vperm.xlane v4, v0;
	_ =	sdelay $0x1  }
0x47: {  	v4 =	vperm.xlane v4, v2;
	v5 =	vadd.s32 v1, v5;
	_ =	sdelay $0x1  }
0x48: {  	v4 =	vadd.s32 v1, v4;
	_ =	sdelay $0x1  }
0x49: {  	s5 =	simm.s32 $0x1680  }
0x4a: {  	[tilespmem:s5], [sflag:$0x1] =	stream.indirect_vreg.gather [hbm4b:s1+s3], $0x80, v5, vm0, $0xb8;
	[tilespmem:$0x13700] =	vst v63  }
0x4b: {  	s5 =	simm.s32 $0x1E80  }
0x4c: {  	[tilespmem:s5], [sflag:$0x1] =	stream.indirect_vreg.gather [hbm4b:s1+s3], $0x80, v4, vm0, $0xb8;
	[tilespmem:$0x13700] =	vst v63  }
0x4d: {  	v4 =	vld [tilespmem:$0x20];
	_ =	sdelay $0x4  }
0x4e: {  	v5 =	vshll.u32 v4, $0x1  }
0x4f: {  	v4 =	vand.u32 $0x7, v4;
	v5 =	vand.u32 $0xFFFFFFF0, v5  }
0x50: {  	v4 =	vor.u32 v4, v5  }
0x51: {  	v5 =	vperm.xlane v4, v0;
	_ =	sdelay $0x1  }
0x52: {  	v4 =	vperm.xlane v4, v2;
	v5 =	vadd.s32 v1, v5;
	_ =	sdelay $0x1  }
0x53: {  	v4 =	vadd.s32 v1, v4;
	_ =	sdelay $0x1  }
0x54: {  	s5 =	simm.s32 $0x2680  }
0x55: {  	[tilespmem:s5], [sflag:$0x1] =	stream.indirect_vreg.gather [hbm4b:s1+s3], $0x80, v5, vm0, $0xb8;
	[tilespmem:$0x13700] =	vst v63  }
0x56: {  	s5 =	simm.s32 $0x2E80  }
0x57: {  	[tilespmem:s5], [sflag:$0x1] =	stream.indirect_vreg.gather [hbm4b:s1+s3], $0x80, v4, vm0, $0xb8;
	[tilespmem:$0x13700] =	vst v63  }
0x58: {  	v4 =	vld [tilespmem:$0x30];
	_ =	sdelay $0x4  }
0x59: {  	v5 =	vshll.u32 v4, $0x1  }
0x5a: {  	v4 =	vand.u32 $0x7, v4;
	v5 =	vand.u32 $0xFFFFFFF0, v5  }
0x5b: {  	v4 =	vor.u32 v4, v5  }
0x5c: {  	v5 =	vperm.xlane v4, v0;
	_ =	sdelay $0x1  }
0x5d: {  	v4 =	vperm.xlane v4, v2;
	v5 =	vadd.s32 v1, v5;
	_ =	sdelay $0x1  }
0x5e: {  	v4 =	vadd.s32 v1, v4;
	_ =	sdelay $0x1  }
0x5f: {  	s5 =	simm.s32 $0x3680  }
0x60: {  	[tilespmem:s5], [sflag:$0x1] =	stream.indirect_vreg.gather [hbm4b:s1+s3], $0x80, v5, vm0, $0xb8;
	[tilespmem:$0x13700] =	vst v63  }
0x61: {  	s5 =	simm.s32 $0x3E80  }
0x62: {  	[tilespmem:s5], [sflag:$0x1] =	stream.indirect_vreg.gather [hbm4b:s1+s3], $0x80, v4, vm0, $0xb8;
	[tilespmem:$0x13700] =	vst v63  }
0x63: {  	v4 =	vld [tilespmem:$0x40];
	_ =	sdelay $0x4  }
0x64: {  	v5 =	vshll.u32 v4, $0x1  }
0x65: {  	v4 =	vand.u32 $0x7, v4;
	v5 =	vand.u32 $0xFFFFFFF0, v5  }
0x66: {  	v4 =	vor.u32 v4, v5  }
0x67: {  	v5 =	vperm.xlane v4, v0;
	_ =	sdelay $0x1  }
0x68: {  	v4 =	vperm.xlane v4, v2;
	v5 =	vadd.s32 v1, v5;
	_ =	sdelay $0x1  }
0x69: {  	v4 =	vadd.s32 v1, v4;
	_ =	sdelay $0x1  }
0x6a: {  	s5 =	simm.s32 $0x4680  }
0x6b: {  	[tilespmem:s5], [sflag:$0x1] =	stream.indirect_vreg.gather [hbm4b:s1+s3], $0x80, v5, vm0, $0xb8;
	[tilespmem:$0x13700] =	vst v63  }
0x6c: {  	s5 =	simm.s32 $0x4E80  }
0x6d: {  	[tilespmem:s5], [sflag:$0x1] =	stream.indirect_vreg.gather [hbm4b:s1+s3], $0x80, v4, vm0, $0xb8;
	[tilespmem:$0x13700] =	vst v63  }
0x6e: {  	v4 =	vld [tilespmem:$0x50];
	_ =	sdelay $0x4  }
0x6f: {  	v5 =	vshll.u32 v4, $0x1  }
0x70: {  	v4 =	vand.u32 $0x7, v4;
	v5 =	vand.u32 $0xFFFFFFF0, v5  }
0x71: {  	v4 =	vor.u32 v4, v5  }
0x72: {  	v5 =	vperm.xlane v4, v0;
	_ =	sdelay $0x1  }
0x73: {  	v4 =	vperm.xlane v4, v2;
	v5 =	vadd.s32 v1, v5;
	_ =	sdelay $0x1  }
0x74: {  	v4 =	vadd.s32 v1, v4;
	_ =	sdelay $0x1  }
0x75: {  	s5 =	simm.s32 $0x5680  }
0x76: {  	[tilespmem:s5], [sflag:$0x1] =	stream.indirect_vreg.gather [hbm4b:s1+s3], $0x80, v5, vm0, $0xb8;
	[tilespmem:$0x13700] =	vst v63  }
0x77: {  	_ = 	snop  }
0x78: {  	[tilespmem:s16], [sflag:$0x1] =	stream.indirect_vreg.gather [hbm4b:s1+s3], $0x80, v4, vm0, $0xb8;
	[tilespmem:$0x13700] =	vst v63  }
0x79: {  	v4 =	vld [tilespmem:$0x60];
	_ =	sdelay $0x4  }
0x7a: {  	v5 =	vshll.u32 v4, $0x1  }
0x7b: {  	v4 =	vand.u32 $0x7, v4;
	v5 =	vand.u32 $0xFFFFFFF0, v5  }
0x7c: {  	v4 =	vor.u32 v4, v5  }
0x7d: {  	v5 =	vperm.xlane v4, v0;
	_ =	sdelay $0x1  }
0x7e: {  	v4 =	vperm.xlane v4, v2;
	v5 =	vadd.s32 v1, v5;
	_ =	sdelay $0x1  }
0x7f: {  	v4 =	vadd.s32 v1, v4;
	_ =	sdelay $0x2  }
0x80: {  	[tilespmem:s28], [sflag:$0x1] =	stream.indirect_vreg.gather [hbm4b:s1+s3], $0x80, v5, vm0, $0xb8;
	[tilespmem:$0x13700] =	vst v63  }
0x81: {  	s5 =	simm.s32 $0x6E80  }
0x82: {  	[tilespmem:s5], [sflag:$0x1] =	stream.indirect_vreg.gather [hbm4b:s1+s3], $0x80, v4, vm0, $0xb8;
	[tilespmem:$0x13700] =	vst v63  }
0x83: {  	v4 =	vld [tilespmem:$0x70];
	_ =	sdelay $0x4  }
0x84: {  	v5 =	vshll.u32 v4, $0x1  }
0x85: {  	v4 =	vand.u32 $0x7, v4;
	v5 =	vand.u32 $0xFFFFFFF0, v5  }
0x86: {  	v4 =	vor.u32 v4, v5  }
0x87: {  	v5 =	vperm.xlane v4, v0;
	_ =	sdelay $0x1  }
0x88: {  	v4 =	vperm.xlane v4, v2;
	v5 =	vadd.s32 v1, v5;
	_ =	sdelay $0x1  }
0x89: {  	v4 =	vadd.s32 v1, v4;
	_ =	sdelay $0x1  }
0x8a: {  	s5 =	simm.s32 $0x7680  }
0x8b: {  	[tilespmem:s5], [sflag:$0x1] =	stream.indirect_vreg.gather [hbm4b:s1+s3], $0x80, v5, vm0, $0xb8;
	[tilespmem:$0x13700] =	vst v63  }
0x8c: {  	s5 =	simm.s32 $0x7E80  }
0x8d: {  	[tilespmem:s5], [sflag:$0x1] =	stream.indirect_vreg.gather [hbm4b:s1+s3], $0x80, v4, vm0, $0xb8;
	[tilespmem:$0x13700] =	vst v63  }
0x8e: {  	v4 =	vld [tilespmem:$0x80];
	_ =	sdelay $0x4  }
0x8f: {  	v5 =	vshll.u32 v4, $0x1  }
0x90: {  	v4 =	vand.u32 $0x7, v4;
	v5 =	vand.u32 $0xFFFFFFF0, v5  }
0x91: {  	v4 =	vor.u32 v4, v5  }
0x92: {  	v5 =	vperm.xlane v4, v0;
	_ =	sdelay $0x1  }
0x93: {  	v4 =	vperm.xlane v4, v2;
	v5 =	vadd.s32 v1, v5;
	_ =	sdelay $0x1  }
0x94: {  	v4 =	vadd.s32 v1, v4;
	_ =	sdelay $0x1  }
0x95: {  	s5 =	simm.s32 $0x8680  }
0x96: {  	[tilespmem:s5], [sflag:$0x1] =	stream.indirect_vreg.gather [hbm4b:s1+s3], $0x80, v5, vm0, $0xb8;
	[tilespmem:$0x13700] =	vst v63  }
0x97: {  	s5 =	simm.s32 $0x8E80  }
0x98: {  	[tilespmem:s5], [sflag:$0x1] =	stream.indirect_vreg.gather [hbm4b:s1+s3], $0x80, v4, vm0, $0xb8;
	[tilespmem:$0x13700] =	vst v63  }
0x99: {  	v4 =	vld [tilespmem:$0x90];
	_ =	sdelay $0x4  }
0x9a: {  	v5 =	vshll.u32 v4, $0x1  }
0x9b: {  	v4 =	vand.u32 $0x7, v4;
	v5 =	vand.u32 $0xFFFFFFF0, v5  }
0x9c: {  	v4 =	vor.u32 v4, v5  }
0x9d: {  	v5 =	vperm.xlane v4, v0;
	_ =	sdelay $0x1  }
0x9e: {  	v4 =	vperm.xlane v4, v2;
	v5 =	vadd.s32 v1, v5;
	_ =	sdelay $0x1  }
0x9f: {  	v4 =	vadd.s32 v1, v4;
	_ =	sdelay $0x1  }
0xa0: {  	s5 =	simm.s32 $0x9680  }
0xa1: {  	[tilespmem:s5], [sflag:$0x1] =	stream.indirect_vreg.gather [hbm4b:s1+s3], $0x80, v5, vm0, $0xb8;
	[tilespmem:$0x13700] =	vst v63  }
0xa2: {  	s5 =	simm.s32 $0x9E80  }
0xa3: {  	[tilespmem:s5], [sflag:$0x1] =	stream.indirect_vreg.gather [hbm4b:s1+s3], $0x80, v4, vm0, $0xb8;
	[tilespmem:$0x13700] =	vst v63  }
0xa4: {  	v4 =	vld [tilespmem:$0xA0];
	_ =	sdelay $0x4  }
0xa5: {  	v5 =	vshll.u32 v4, $0x1  }
0xa6: {  	v4 =	vand.u32 $0x7, v4;
	v5 =	vand.u32 $0xFFFFFFF0, v5  }
0xa7: {  	v4 =	vor.u32 v4, v5  }
0xa8: {  	v5 =	vperm.xlane v4, v0;
	_ =	sdelay $0x1  }
0xa9: {  	v4 =	vperm.xlane v4, v2;
	v5 =	vadd.s32 v1, v5;
	_ =	sdelay $0x1  }
0xaa: {  	v4 =	vadd.s32 v1, v4;
	_ =	sdelay $0x1  }
0xab: {  	s5 =	simm.s32 $0xA680  }
0xac: {  	[tilespmem:s5], [sflag:$0x1] =	stream.indirect_vreg.gather [hbm4b:s1+s3], $0x80, v5, vm0, $0xb8;
	[tilespmem:$0x13700] =	vst v63  }
0xad: {  	s5 =	simm.s32 $0xAE80  }
0xae: {  	[tilespmem:s5], [sflag:$0x1] =	stream.indirect_vreg.gather [hbm4b:s1+s3], $0x80, v4, vm0, $0xb8;
	[tilespmem:$0x13700] =	vst v63  }
0xaf: {  	v4 =	vld [tilespmem:$0xB0];
	_ =	sdelay $0x4  }
0xb0: {  	v5 =	vshll.u32 v4, $0x1  }
0xb1: {  	v4 =	vand.u32 $0x7, v4;
	v5 =	vand.u32 $0xFFFFFFF0, v5  }
0xb2: {  	v4 =	vor.u32 v4, v5  }
0xb3: {  	v5 =	vperm.xlane v4, v0;
	_ =	sdelay $0x1  }
0xb4: {  	v4 =	vperm.xlane v4, v2;
	v5 =	vadd.s32 v1, v5;
	_ =	sdelay $0x1  }
0xb5: {  	v4 =	vadd.s32 v1, v4;
	_ =	sdelay $0x2  }
0xb6: {  	[tilespmem:s17], [sflag:$0x1] =	stream.indirect_vreg.gather [hbm4b:s1+s3], $0x80, v5, vm0, $0xb8;
	[tilespmem:$0x13700] =	vst v63  }
0xb7: {  	_ = 	snop  }
0xb8: {  	[tilespmem:s18], [sflag:$0x1] =	stream.indirect_vreg.gather [hbm4b:s1+s3], $0x80, v4, vm0, $0xb8;
	[tilespmem:$0x13700] =	vst v63  }
0xb9: {  	v4 =	vld [tilespmem:$0xC0];
	_ =	sdelay $0x4  }
0xba: {  	v5 =	vshll.u32 v4, $0x1  }
0xbb: {  	v4 =	vand.u32 $0x7, v4;
	v5 =	vand.u32 $0xFFFFFFF0, v5  }
0xbc: {  	v4 =	vor.u32 v4, v5  }
0xbd: {  	v5 =	vperm.xlane v4, v0;
	_ =	sdelay $0x1  }
0xbe: {  	v4 =	vperm.xlane v4, v2;
	v5 =	vadd.s32 v1, v5;
	_ =	sdelay $0x1  }
0xbf: {  	v4 =	vadd.s32 v1, v4;
	_ =	sdelay $0x2  }
0xc0: {  	[tilespmem:s6], [sflag:$0x1] =	stream.indirect_vreg.gather [hbm4b:s1+s3], $0x80, v5, vm0, $0xb8;
	[tilespmem:$0x13700] =	vst v63  }
0xc1: {  	_ = 	snop  }
0xc2: {  	[tilespmem:s19], [sflag:$0x1] =	stream.indirect_vreg.gather [hbm4b:s1+s3], $0x80, v4, vm0, $0xb8;
	[tilespmem:$0x13700] =	vst v63  }
0xc3: {  	v4 =	vld [tilespmem:$0xD0];
	_ =	sdelay $0x4  }
0xc4: {  	v5 =	vshll.u32 v4, $0x1  }
0xc5: {  	v4 =	vand.u32 $0x7, v4;
	v5 =	vand.u32 $0xFFFFFFF0, v5  }
0xc6: {  	v4 =	vor.u32 v4, v5  }
0xc7: {  	v5 =	vperm.xlane v4, v0;
	_ =	sdelay $0x1  }
0xc8: {  	v4 =	vperm.xlane v4, v2;
	v5 =	vadd.s32 v1, v5;
	_ =	sdelay $0x1  }
0xc9: {  	v4 =	vadd.s32 v1, v4;
	_ =	sdelay $0x2  }
0xca: {  	[tilespmem:s20], [sflag:$0x1] =	stream.indirect_vreg.gather [hbm4b:s1+s3], $0x80, v5, vm0, $0xb8;
	[tilespmem:$0x13700] =	vst v63  }
0xcb: {  	_ = 	snop  }
0xcc: {  	[tilespmem:s21], [sflag:$0x1] =	stream.indirect_vreg.gather [hbm4b:s1+s3], $0x80, v4, vm0, $0xb8;
	[tilespmem:$0x13700] =	vst v63  }
0xcd: {  	v4 =	vld [tilespmem:$0xE0];
	_ =	sdelay $0x4  }
0xce: {  	v5 =	vshll.u32 v4, $0x1  }
0xcf: {  	v4 =	vand.u32 $0x7, v4;
	v5 =	vand.u32 $0xFFFFFFF0, v5  }
0xd0: {  	v4 =	vor.u32 v4, v5  }
0xd1: {  	v5 =	vperm.xlane v4, v0;
	_ =	sdelay $0x1  }
0xd2: {  	v4 =	vperm.xlane v4, v2;
	v5 =	vadd.s32 v1, v5;
	_ =	sdelay $0x1  }
0xd3: {  	v4 =	vadd.s32 v1, v4;
	_ =	sdelay $0x2  }
0xd4: {  	[tilespmem:s7], [sflag:$0x1] =	stream.indirect_vreg.gather [hbm4b:s1+s3], $0x80, v5, vm0, $0xb8;
	[tilespmem:$0x13700] =	vst v63  }
0xd5: {  	_ = 	snop  }
0xd6: {  	[tilespmem:s22], [sflag:$0x1] =	stream.indirect_vreg.gather [hbm4b:s1+s3], $0x80, v4, vm0, $0xb8;
	[tilespmem:$0x13700] =	vst v63  }
0xd7: {  	v4 =	vld [tilespmem:$0xF0];
	_ =	sdelay $0x4  }
0xd8: {  	v5 =	vshll.u32 v4, $0x1  }
0xd9: {  	v4 =	vand.u32 $0x7, v4;
	v5 =	vand.u32 $0xFFFFFFF0, v5  }
0xda: {  	v4 =	vor.u32 v4, v5  }
0xdb: {  	v5 =	vperm.xlane v4, v0;
	_ =	sdelay $0x1  }
0xdc: {  	v4 =	vperm.xlane v4, v2;
	v5 =	vadd.s32 v1, v5;
	_ =	sdelay $0x1  }
0xdd: {  	v4 =	vadd.s32 v1, v4;
	_ =	sdelay $0x2  }
0xde: {  	[tilespmem:s23], [sflag:$0x1] =	stream.indirect_vreg.gather [hbm4b:s1+s3], $0x80, v5, vm0, $0xb8;
	[tilespmem:$0x13700] =	vst v63  }
0xdf: {  	_ = 	snop  }
0xe0: {  	[tilespmem:s24], [sflag:$0x1] =	stream.indirect_vreg.gather [hbm4b:s1+s3], $0x80, v4, vm0, $0xb8;
	[tilespmem:$0x13700] =	vst v63  }
0xe1: {  	v4 =	vld [tilespmem:$0x100];
	_ =	sdelay $0x4  }
0xe2: {  	v5 =	vshll.u32 v4, $0x1  }
0xe3: {  	v4 =	vand.u32 $0x7, v4;
	v5 =	vand.u32 $0xFFFFFFF0, v5  }
0xe4: {  	v4 =	vor.u32 v4, v5  }
0xe5: {  	v5 =	vperm.xlane v4, v0;
	_ =	sdelay $0x1  }
0xe6: {  	v4 =	vperm.xlane v4, v2;
	v5 =	vadd.s32 v1, v5;
	_ =	sdelay $0x1  }
0xe7: {  	v4 =	vadd.s32 v1, v4;
	_ =	sdelay $0x2  }
0xe8: {  	[tilespmem:s25], [sflag:$0x1] =	stream.indirect_vreg.gather [hbm4b:s1+s3], $0x80, v5, vm0, $0xb8;
	[tilespmem:$0x13700] =	vst v63  }
0xe9: {  	_ = 	snop  }
0xea: {  	[tilespmem:s26], [sflag:$0x1] =	stream.indirect_vreg.gather [hbm4b:s1+s3], $0x80, v4, vm0, $0xb8;
	[tilespmem:$0x13700] =	vst v63  }
0xeb: {  	v4 =	vld [tilespmem:$0x110];
	_ =	sdelay $0x4  }
0xec: {  	v5 =	vshll.u32 v4, $0x1  }
0xed: {  	v4 =	vand.u32 $0x7, v4;
	v5 =	vand.u32 $0xFFFFFFF0, v5  }
0xee: {  	v4 =	vor.u32 v4, v5  }
0xef: {  	v5 =	vperm.xlane v4, v0;
	_ =	sdelay $0x1  }
0xf0: {  	v4 =	vperm.xlane v4, v2;
	v5 =	vadd.s32 v1, v5;
	_ =	sdelay $0x1  }
0xf1: {  	v4 =	vadd.s32 v1, v4  }
.Ltmp2:
0xf2: {  	_ = 	snop;
	(pc) =	sbr.rel @!p0 .LBB2_2-.Ltmp2, $4  }
0xf3: {  	_ = 	snop  }
0xf4: {  	[tilespmem:s29], [sflag:$0x1] =	stream.indirect_vreg.gather [hbm4b:s1+s3], $0x80, v5, vm0, $0xb8;
	[tilespmem:$0x13700] =	vst v63  }
0xf5: {  	_ = 	snop  }
0xf6: {  	[tilespmem:s30], [sflag:$0x1] =	stream.indirect_vreg.gather [hbm4b:s1+s3], $0x80, v4, vm0, $0xb8;
	[tilespmem:$0x13700] =	vst v63  }
0xf7: {  	s5 =	simm.s32 $0x0;
	s16 =	rddreg [dreg:$0x6];
	s17 =	simm.s32 $0x180  }
0xf8: {  	[tilespmem:s17], [sflag:$0x3] =	stream.linear.gather [hbm4b:s16+s5], $0x240, $0x38;
	[tilespmem:$0x13700] =	vst v63  }
0xf9: {  	_ =	swait.ge [sflag:s14], $0x240  }
0xfa: {  	[sflag:s14] =	ssyncset.done $0x0  }
0xfb: {  	s17 =	rddreg [dreg:$0x7];
	[sflag:s14] =	ssyncadd.s32 $0xFFFFFDC0  }
0xfc: {  	[tilespmem:s31], [sflag:$0x3] =	stream.linear.gather [hbm4b:s17+s5], $0x240, $0x38;
	[tilespmem:$0x13700] =	vst v63  }
0xfd: {  	_ =	swait.ge [sflag:s14], $0x240  }
0xfe: {  	[sflag:s14] =	ssyncset.done $0x0  }
0xff: {  	s16 =	simm.s32 $0x0;
	s5 =	simm.s32 $0x40;
	[sflag:s14] =	ssyncadd.s32 $0xFFFFFDC0  }
.LBB2_4:
0x100: {  	p2 =	sne.s32 s5, $0xFC0;
	[tilespmem:s16+$0x12680] =	vst v3;
	s16 =	smov.u32 s5;
	s5 =	sadd.s32 $0x40, s5  }
.Ltmp3:
0x101: {  	(pc) =	sbr.rel @p2 .LBB2_4-.Ltmp3, $2  }
0x102: {  	_ =	sdelay $0x2  }
0x103: {  	s16 =	sshra.s32 s16, $0x2  }
0x104: {  	[tilespmem:s16+$0x12680] =	vst v3;
	s16 =	simm.s32 $0x0;
	s5 =	simm.s32 $0x40  }
.LBB2_6:
0x105: {  	p2 =	sne.s32 s5, $0x8C0;
	v4 =	vld [tilespmem:s16+$0x180];
	_ =	sdelay $0x2  }
0x106: {  	v5 =	vld [tilespmem:s16+$0x400]  }
.Ltmp4:
0x107: {  	(pc) =	sbr.rel @p2 .LBB2_6-.Ltmp4, $2  }
0x108: {  	_ =	sdelay $0x2  }
0x109: {  	s16 =	sshra.s32 s5, $0x2;
	s5 =	sadd.s32 $0x40, s5;
	[tilespmem:v4+s0+$0x0] =	vst.idx.add.f32.msk $0xffff, v5  }
0x10a: {  	v4 =	vld [tilespmem:s16+$0x180];
	_ =	sdelay $0x2  }
0x10b: {  	v5 =	vld [tilespmem:s16+$0x400];
	_ =	sdelay $0x4  }
0x10c: {  	s5 =	rddreg [dreg:$0x8];
	s17 =	simm.s32 $0x80;
	[tilespmem:v4+s0+$0x0] =	vst.idx.add.f32.msk $0xffff, v5  }
0x10d: {  	[spmem:s5] =	stream.strided.scatter [tilespmem:s0], [sflag:$0x3], $0x400, s31, s17, $0x38;
	[tilespmem:$0x13700] =	vst v63  }
.Ltmp5:
0x10e: {  	_ =	swait.ge [sflag:s14], $0x400;
	(pc) =	sbr.rel @p1 .LBB2_9-.Ltmp5, $4  }
0x10f: {  	[sflag:s14] =	ssyncset.done $0x0  }
0x110: {  	[sflag:s14] =	ssyncadd.s32 $0xFFFFFC00  }
0x111: {  	[bflag:$0x0] =	sbarrier.arrive $0xFFFF  }
0x112: {  	s16 =	simm.s32 $0x5E80;
	s17 =	simm.s32 $0xB680  }
0x113: {  	s5 =	rddreg [dreg:$0x9];
	s18 =	simm.s32 $0x2000;
	s19 =	simm.s32 $0x12A80  }
0x114: {  	[tilespmem:s19], [sflag:$0x3] =	stream.strided.gather [spmem:s5], $0x800, s18, s31, $0x38;
	[tilespmem:$0x13700] =	vst v63  }
0x115: {  	_ =	swait.ge [sflag:s14], $0x800  }
0x116: {  	[sflag:s14] =	ssyncset.done $0x0  }
0x117: {  	[sflag:s14] =	ssyncadd.s32 $0xFFFFF800  }
0x118: {  	v4 =	vld [tilespmem:$0x12A80]  }
0x119: {  	v5 =	vld [tilespmem:$0x12B00]  }
0x11a: {  	v6 =	vld [tilespmem:$0x12B80]  }
0x11b: {  	v8 =	vld [tilespmem:$0x12C00]  }
0x11c: {  	v9 =	vld [tilespmem:$0x12C80]  }
0x11d: {  	v14 =	vld [tilespmem:$0x12D00]  }
0x11e: {  	v15 =	vld [tilespmem:$0x12D80]  }
0x11f: {  	v17 =	vld [tilespmem:$0x12E00]  }
0x120: {  	v20 =	vld [tilespmem:$0x12E80]  }
0x121: {  	v32 =	vld [tilespmem:$0x12F00]  }
0x122: {  	v7 =	vld [tilespmem:$0x12F80]  }
0x123: {  	v11 =	vld [tilespmem:$0x13000]  }
0x124: {  	v12 =	vld [tilespmem:$0x13080]  }
0x125: {  	v13 =	vld [tilespmem:$0x13100]  }
0x126: {  	v16 =	vld [tilespmem:$0x13180]  }
0x127: {  	v18 =	vld [tilespmem:$0x13200]  }
0x128: {  	v22 =	vld [tilespmem:$0x12B90]  }
0x129: {  	v23 =	vld [tilespmem:$0x12C10]  }
0x12a: {  	v24 =	vld [tilespmem:$0x12C90]  }
0x12b: {  	v25 =	vld [tilespmem:$0x12D10]  }
0x12c: {  	v26 =	vld [tilespmem:$0x12D90]  }
0x12d: {  	v27 =	vld [tilespmem:$0x12E10]  }
0x12e: {  	v28 =	vld [tilespmem:$0x12E90]  }
0x12f: {  	v29 =	vld [tilespmem:$0x12F10]  }
0x130: {  	v30 =	vld [tilespmem:$0x12F90]  }
0x131: {  	v31 =	vld [tilespmem:$0x13010]  }
0x132: {  	v34 =	vld [tilespmem:$0x13090]  }
0x133: {  	v19 =	vld [tilespmem:$0x13110]  }
0x134: {  	v21 =	vld [tilespmem:$0x13190]  }
0x135: {  	v33 =	vld [tilespmem:$0x13210]  }
0x136: {  	v36 =	vld [tilespmem:$0x12AA0]  }
0x137: {  	v37 =	vld [tilespmem:$0x12B20]  }
0x138: {  	v38 =	vld [tilespmem:$0x12BA0]  }
0x139: {  	v39 =	vld [tilespmem:$0x12C20]  }
0x13a: {  	v40 =	vld [tilespmem:$0x12CA0]  }
0x13b: {  	v41 =	vld [tilespmem:$0x12D20]  }
0x13c: {  	v42 =	vld [tilespmem:$0x12DA0]  }
0x13d: {  	v43 =	vld [tilespmem:$0x12E20]  }
0x13e: {  	v44 =	vld [tilespmem:$0x12EA0]  }
0x13f: {  	v45 =	vld [tilespmem:$0x12F20]  }
0x140: {  	v46 =	vld [tilespmem:$0x12FA0]  }
0x141: {  	v47 =	vld [tilespmem:$0x13020]  }
0x142: {  	v48 =	vld [tilespmem:$0x130A0]  }
0x143: {  	v49 =	vld [tilespmem:$0x13120]  }
0x144: {  	v50 =	vld [tilespmem:$0x131A0]  }
0x145: {  	v51 =	vld [tilespmem:$0x13220]  }
0x146: {  	v52 =	vld [tilespmem:$0x12AB0]  }
0x147: {  	v53 =	vld [tilespmem:$0x12B30]  }
0x148: {  	v54 =	vld [tilespmem:$0x12BB0]  }
0x149: {  	v55 =	vld [tilespmem:$0x12C30]  }
0x14a: {  	v56 =	vld [tilespmem:$0x12CB0]  }
0x14b: {  	v57 =	vld [tilespmem:$0x12D30]  }
0x14c: {  	v58 =	vld [tilespmem:$0x12DB0]  }
0x14d: {  	v59 =	vld [tilespmem:$0x12E30]  }
0x14e: {  	v60 =	vld [tilespmem:$0x12EB0]  }
0x14f: {  	v61 =	vld [tilespmem:$0x12F30]  }
0x150: {  	v62 =	vld [tilespmem:$0x12FB0]  }
0x151: {  	v63 =	vld [tilespmem:$0x13030]  }
0x152: {  	v10 =	vld [tilespmem:$0x13130]  }
0x153: {  	v35 =	vld [tilespmem:$0x12CC0]  }
0x154: {  	[tilespmem:$0x1FF70] =	vst v11;
	v11 =	vld [tilespmem:$0x12A90]  }
0x155: {  	[tilespmem:$0x1FF90] =	vst v13;
	v13 =	vld [tilespmem:$0x12B10]  }
0x156: {  	[tilespmem:$0x1FF60] =	vst v7;
	v7 =	vld [tilespmem:$0x130B0]  }
0x157: {  	[tilespmem:$0x1FF80] =	vst v12;
	v12 =	vld [tilespmem:$0x131B0]  }
0x158: {  	[tilespmem:$0x1FFD0] =	vst v18;
	v18 =	vld [tilespmem:$0x13230]  }
0x159: {  	[tilespmem:$0x1FFB0] =	vst v16;
	v16 =	vld [tilespmem:$0x12AC0]  }
0x15a: {  	[tilespmem:$0x1FFA0] =	vst v19;
	v19 =	vld [tilespmem:$0x12B40];
	v4 =	vadd.f32 $0.0e+00, v4  }
0x15b: {  	[tilespmem:$0x1FFC0] =	vst v21;
	v21 =	vld [tilespmem:$0x12BC0]  }
0x15c: {  	[tilespmem:$0x1FFE0] =	vst v33;
	v33 =	vld [tilespmem:$0x12C40];
	v4 =	vadd.f32 v5, v4  }
0x15d: {  	[tilespmem:$0x1FFF0] =	vst v35;
	v35 =	vadd.f32 $0.0e+00, v52;
	v52 =	vld [tilespmem:$0x12DC0];
	v5 =	vadd.f32 $0.0e+00, v36  }
0x15e: {  	v36 =	vld [tilespmem:$0x12D40];
	v4 =	vadd.f32 v6, v4  }
0x15f: {  	v35 =	vadd.f32 v53, v35;
	v5 =	vadd.f32 v37, v5;
	v37 =	vld [tilespmem:$0x12E40]  }
0x160: {  	v11 =	vadd.f32 $0.0e+00, v11;
	v4 =	vadd.f32 v8, v4;
	v8 =	vld [tilespmem:$0x130C0]  }
0x161: {  	v5 =	vadd.f32 v38, v5;
	v38 =	vadd.f32 v54, v35;
	v35 =	vld [tilespmem:$0x12F50]  }
0x162: {  	v11 =	vadd.f32 v13, v11;
	v13 =	vld [tilespmem:$0x12F40]  }
0x163: {  	v4 =	vadd.f32 v9, v4;
	v9 =	vld [tilespmem:$0x13040]  }
0x164: {  	v16 =	vadd.f32 $0.0e+00, v16;
	v53 =	vadd.f32 v55, v38;
	v55 =	vld [tilespmem:$0x12AD0]  }
0x165: {  	v38 =	vld [tilespmem:$0x13050]  }
0x166: {  	v16 =	vadd.f32 v19, v16;
	v5 =	vadd.f32 v39, v5;
	v39 =	vld [tilespmem:$0x13150]  }
0x167: {  	v6 =	vadd.f32 v22, v11;
	v22 =	vld [tilespmem:$0x12EC0]  }
0x168: {  	v11 =	vld [tilespmem:$0x12FC0];
	v16 =	vadd.f32 v21, v16  }
0x169: {  	v4 =	vadd.f32 v14, v4;
	v54 =	vadd.f32 v40, v5;
	v5 =	vld [tilespmem:$0x131C0]  }
0x16a: {  	v16 =	vadd.f32 v33, v16;
	v33 =	vld [tilespmem:$0x12DF0]  }
0x16b: {  	v6 =	vadd.f32 v23, v6;
	v15 =	vadd.f32 v15, v4;
	v4 =	vld [tilespmem:$0x13240]  }
0x16c: {  	v14 =	vadd.f32 v41, v54;
	v54 =	vld [tilespmem:$0x12BF0]  }
0x16d: {  	v23 =	vadd.f32 v24, v6;
	v6 =	vld [tilespmem:$0x13140]  }
0x16e: {  	v24 =	vadd.f32 v56, v53;
	v56 =	vld [tilespmem:$0x12B50]  }
0x16f: {  	v53 =	vld [tilespmem:$0x12BE0]  }
0x170: {  	v15 =	vadd.f32 v17, v15;
	v14 =	vadd.f32 v42, v14;
	v42 =	vld [tilespmem:$0x12EE0]  }
0x171: {  	v24 =	vadd.f32 v57, v24;
	v57 =	vld [tilespmem:$0x12BD0]  }
0x172: {  	v15 =	vadd.f32 v20, v15;
	v20 =	vld [tilespmem:$0x12C50]  }
0x173: {  	v23 =	vadd.f32 v25, v23;
	v14 =	vadd.f32 v43, v14;
	v43 =	vld [tilespmem:$0x12EF0]  }
0x174: {  	v24 =	vadd.f32 v58, v24;
	v58 =	vld [tilespmem:$0x1FF60]  }
0x175: {  	v23 =	vadd.f32 v26, v23;
	v15 =	vadd.f32 v32, v15;
	v32 =	vld [tilespmem:$0x12E50]  }
0x176: {  	v14 =	vadd.f32 v44, v14;
	v44 =	vld [tilespmem:$0x1FFC0]  }
0x177: {  	v23 =	vadd.f32 v27, v23;
	v27 =	vld [tilespmem:$0x12CD0]  }
0x178: {  	v24 =	vadd.f32 v59, v24;
	v59 =	vld [tilespmem:$0x1FF70]  }
0x179: {  	v14 =	vadd.f32 v45, v14;
	v45 =	vld [tilespmem:$0x12AE0]  }
0x17a: {  	v23 =	vadd.f32 v28, v23;
	v24 =	vadd.f32 v60, v24;
	v60 =	vld [tilespmem:$0x1FF80]  }
0x17b: {  	v28 =	vld [tilespmem:$0x12D50];
	v15 =	vadd.f32 v58, v15;
	v14 =	vadd.f32 v46, v14  }
0x17c: {  	v23 =	vadd.f32 v29, v23;
	v24 =	vadd.f32 v61, v24;
	v61 =	vld [tilespmem:$0x1FF90]  }
0x17d: {  	v46 =	vld [tilespmem:$0x1FFD0];
	v15 =	vadd.f32 v59, v15;
	v14 =	vadd.f32 v47, v14  }
0x17e: {  	v47 =	vld [tilespmem:$0x12AF0];
	v23 =	vadd.f32 v30, v23;
	v24 =	vadd.f32 v62, v24  }
0x17f: {  	v62 =	vld [tilespmem:$0x1FFA0];
	v15 =	vadd.f32 v60, v15;
	v14 =	vadd.f32 v48, v14  }
0x180: {  	v23 =	vadd.f32 v31, v23;
	v24 =	vadd.f32 v63, v24;
	v63 =	vld [tilespmem:$0x1FFB0]  }
0x181: {  	v58 =	vld [tilespmem:$0x12CE0];
	v15 =	vadd.f32 v61, v15;
	v14 =	vadd.f32 v49, v14  }
0x182: {  	v49 =	vld [tilespmem:$0x12B60];
	v23 =	vadd.f32 v34, v23;
	v7 =	vadd.f32 v7, v24  }
0x183: {  	v29 =	vld [tilespmem:$0x12DD0];
	v41 =	vadd.f32 $0.0e+00, v47;
	v14 =	vadd.f32 v50, v14  }
0x184: {  	v61 =	vld [tilespmem:$0x1FFF0];
	v23 =	vadd.f32 v62, v23;
	v7 =	vadd.f32 v10, v7  }
0x185: {  	v50 =	vld [tilespmem:$0x12B70];
	v10 =	vadd.f32 $0.0e+00, v45;
	v15 =	vadd.f32 v63, v15  }
0x186: {  	v48 =	vld [tilespmem:$0x1FFE0];
	v14 =	vadd.f32 v51, v14;
	v51 =	vadd.f32 $0.0e+00, v55  }
0x187: {  	v55 =	vld [tilespmem:$0x12C60];
	v23 =	vadd.f32 v44, v23;
	v10 =	vadd.f32 v49, v10  }
0x188: {  	v59 =	vld [tilespmem:$0x12CF0];
	v7 =	vadd.f32 v12, v7;
	v17 =	vadd.f32 v56, v51  }
0x189: {  	v16 =	vadd.f32 v61, v16;
	v56 =	vld [tilespmem:$0x12C70];
	v10 =	vadd.f32 v53, v10  }
0x18a: {  	v30 =	vld [tilespmem:$0x12ED0];
	v17 =	vadd.f32 v57, v17;
	v57 =	vadd.f32 v50, v41  }
0x18b: {  	v60 =	vld [tilespmem:$0x12D60];
	v15 =	vadd.f32 v46, v15;
	v23 =	vadd.f32 v48, v23  }
0x18c: {  	v62 =	vld [tilespmem:$0x12D70];
	v10 =	vadd.f32 v55, v10;
	v19 =	vadd.f32 v54, v57  }
0x18d: {  	v63 =	vld [tilespmem:$0x12DE0];
	v16 =	vadd.f32 v36, v16;
	v17 =	vadd.f32 v20, v17  }
0x18e: {  	v31 =	vld [tilespmem:$0x12FD0];
	v10 =	vadd.f32 v58, v10;
	v12 =	vadd.f32 v56, v19  }
0x18f: {  	v36 =	vld [tilespmem:$0x12E60];
	v16 =	vadd.f32 v52, v16;
	v17 =	vadd.f32 v27, v17  }
0x190: {  	v34 =	vld [tilespmem:$0x130D0];
	v10 =	vadd.f32 v60, v10;
	v12 =	vadd.f32 v59, v12  }
0x191: {  	v41 =	vld [tilespmem:$0x12E70];
	v16 =	vadd.f32 v37, v16;
	v17 =	vadd.f32 v28, v17  }
0x192: {  	v24 =	vld [tilespmem:$0x131D0];
	v10 =	vadd.f32 v63, v10;
	v12 =	vadd.f32 v62, v12  }
0x193: {  	v44 =	vld [tilespmem:$0x12F60];
	v16 =	vadd.f32 v22, v16;
	v17 =	vadd.f32 v29, v17  }
0x194: {  	v45 =	vld [tilespmem:$0x12F70];
	v10 =	vadd.f32 v36, v10;
	v12 =	vadd.f32 v33, v12  }
0x195: {  	v46 =	vld [tilespmem:$0x12FE0];
	v13 =	vadd.f32 v13, v16;
	v17 =	vadd.f32 v32, v17  }
0x196: {  	v47 =	vld [tilespmem:$0x12FF0];
	v10 =	vadd.f32 v42, v10;
	v12 =	vadd.f32 v41, v12  }
0x197: {  	v48 =	vld [tilespmem:$0x13060];
	v11 =	vadd.f32 v11, v13;
	v17 =	vadd.f32 v30, v17  }
0x198: {  	v49 =	vld [tilespmem:$0x13070];
	v10 =	vadd.f32 v44, v10;
	v12 =	vadd.f32 v43, v12  }
0x199: {  	v50 =	vld [tilespmem:$0x130E0];
	v9 =	vadd.f32 v9, v11;
	v17 =	vadd.f32 v35, v17  }
0x19a: {  	v51 =	vld [tilespmem:$0x130F0];
	v10 =	vadd.f32 v46, v10;
	v12 =	vadd.f32 v45, v12  }
0x19b: {  	v52 =	vld [tilespmem:$0x13160];
	v8 =	vadd.f32 v8, v9;
	v17 =	vadd.f32 v31, v17  }
0x19c: {  	v55 =	vld [tilespmem:$0x131E0];
	v53 =	vadd.f32 v48, v10;
	v12 =	vadd.f32 v47, v12  }
0x19d: {  	v54 =	vld [tilespmem:$0x13170];
	v6 =	vadd.f32 v6, v8;
	v17 =	vadd.f32 v38, v17  }
0x19e: {  	v57 =	vld [tilespmem:$0x131F0];
	v56 =	vadd.f32 v50, v53;
	v12 =	vadd.f32 v49, v12  }
0x19f: {  	v58 =	vld [tilespmem:$0x13260];
	v5 =	vadd.f32 v5, v6;
	v17 =	vadd.f32 v34, v17  }
0x1a0: {  	v40 =	vld [tilespmem:$0x13250];
	v59 =	vadd.f32 v52, v56;
	v11 =	vadd.f32 v51, v12  }
0x1a1: {  	[tilespmem:$0x132A0] =	vst v14;
	v60 =	vld [tilespmem:$0x13270];
	v4 =	vadd.f32 v4, v5;
	v17 =	vadd.f32 v39, v17  }
0x1a2: {  	[tilespmem:$0x13280] =	vst v15;
	v5 =	vadd.f32 v55, v59;
	v10 =	vadd.f32 v54, v11  }
0x1a3: {  	v7 =	vadd.f32 v18, v7;
	[tilespmem:$0x13290] =	vst v23;
	v61 =	vadd.f32 v24, v17  }
0x1a4: {  	[tilespmem:$0x132C0] =	vst v4;
	v4 =	vadd.f32 v58, v5;
	v63 =	vadd.f32 v57, v10  }
0x1a5: {  	[tilespmem:$0x132B0] =	vst v7;
	v62 =	vadd.f32 v40, v61  }
0x1a6: {  	[tilespmem:$0x132E0] =	vst v4;
	v5 =	vadd.f32 v60, v63  }
0x1a7: {  	[tilespmem:$0x132D0] =	vst v62  }
.Ltmp6:
0x1a8: {  	s20 =	simm.s32 $0x13280;
	s5 =	rddreg [dreg:$0xa];
	[tilespmem:$0x132F0] =	vst v5;
	(pc) =	sbr.rel .LBB2_9-.Ltmp6, $4  }
0x1a9: {  	[hbm4b:s5+s3] =	stream.linear.scatter [tilespmem:s20], [sflag:$0x3], $0x80, $0x38;
	[tilespmem:$0x13700] =	vst v63  }
0x1aa: {  	_ =	swait.ge [sflag:s14], $0x80  }
0x1ab: {  	s19 =	simm.s32 $0xCE80;
	[sflag:s14] =	ssyncset.done $0x0  }
0x1ac: {  	s18 =	simm.s32 $0xBE80;
	s20 =	simm.s32 $0xD680;
	[sflag:s14] =	ssyncadd.s32 $0xFFFFFF80  }
.LBB2_10:
0x1ad: {  	_ =	sfence.sel $0x180000  }
0x1ae: {  	[bflag:$0x0] =	sbarrier.arrive $0xFFFF  }
0x1af: {  	_ =	strace $0x90000047  }
0x1b0: {  	s0 =	stileid.u32;
	[bflag:$0x2] =	sbarrier.arrive $0xFFFF  }
0x1b1: {  	p0 =	sne.s32 s0, $0x0;
	s0 =	rddreg [dreg:$0x5]  }
0x1b2: {  	s0 =	sadd.s32 @!p0 $0x100000, s0  }
0x1b3: {  	[sflag:s0] =	ssyncadd.tile.s32 @!p0 $0x1;
	_ =	shalt  }
.Lfunc_end2:
_tile_overlayer_lowered:
.L_overlay_start_2:
0x1b4: {  	(tag) =	ssettag $0x2  }
0x1b5: {  	s0 =	rddreg [dreg:$0x0];
	s2 =	stileid.u32  }
0x1b6: {  	s1 =	rddreg [dreg:$0x1];
	p0 =	sne.s32 s2, $0x0  }
0x1b7: {  	s3 =	rddreg [dreg:$0x2];
	[bflag:$0x3] =	sbarrier.arrive $0xFFFF;
	s2 =	simm.s32 @!p0 $0x1C03  }
0x1b8: {  	[timem:s3], [sflag:s2] =	dma.local @!p0 [hbm:s0], s1  }
0x1b9: {  	s0 =	simm.s32 @!p0 $0x3  }
0x1ba: {  	_ =	swait.ge @!p0 [sflag:s0], s1  }
0x1bb: {  	s1 =	ssub.s32 @!p0 $0x0, s1;
	[sflag:s0] =	ssyncset.done @!p0 $0x0  }
0x1bc: {  	[sflag:s0] =	ssyncadd.s32 @!p0 s1  }
0x1bd: {  	[bflag:$0x3] =	sbarrier.arrive $0xFFFF  }
0x1be: {  	_ =	shalt  }

</sc_bundles>
